<compile_context>
chip_gen: v7x
topology: tpu7x:2x2x1
jax: 0.10.2.dev20260603
libtpu: 0.0.44.dev20260713+nightly
codegen_flags: <defaults>
</compile_context>

<pallas_src>
import functools

import jax
import jax.numpy as jnp
from jax import lax
from jax.experimental import pallas as pl
from jax.experimental.pallas import tpu as pltpu
from jax.experimental.pallas import tpu_sc as plsc

D = 128
NC, NS = 2, 16
NW = NC * NS
EB = 128

_mesh = functools.partial(
    plsc.VectorSubcoreMesh, core_axis_name="c", subcore_axis_name="s",
    num_cores=NC, num_subcores=NS)


def _fill(ref, n, value, dtype):
    v = jnp.full((16,), value, dtype)
    for i in range(n // 16):
        ref[pl.ds(i * 16, 16)] = v


def _deg_call(dst2, npad, nb):
    rpt = npad // NS

    def body(dst_hbm, degp_hbm, didx_v, ones_v, zero_v, deg_sh, dsem):
        c = lax.axis_index("c")
        s = lax.axis_index("s")
        wid = c * NS + s
        pltpu.sync_copy(dst_hbm.at[wid], didx_v)
        _fill(ones_v, EB, 1.0, jnp.float32)
        _fill(zero_v, rpt, 0.0, jnp.float32)
        r0 = s * rpt
        pltpu.sync_copy(zero_v, deg_sh.at[pl.ds(r0, rpt)])
        plsc.subcore_barrier()

        def step(i, _):
            pltpu.async_copy(ones_v, deg_sh.at[didx_v.at[i]], dsem, add=True)
            return 0

        lax.fori_loop(0, nb, step, 0)
        pltpu.make_async_copy(dst_hbm.at[wid], didx_v, dsem).wait()
        plsc.subcore_barrier()
        pltpu.sync_copy(deg_sh.at[pl.ds(r0, rpt)],
                        degp_hbm.at[c, pl.ds(r0, rpt)])

    return pl.kernel(
        body,
        out_type=jax.ShapeDtypeStruct((NC, npad), jnp.float32),
        mesh=_mesh(),
        scratch_types=[
            pltpu.VMEM((nb, EB), jnp.int32),
            pltpu.VMEM((EB,), jnp.float32),
            pltpu.VMEM((rpt,), jnp.float32),
            pltpu.VMEM_SHARED((npad,), jnp.float32),
            pltpu.SemaphoreType.DMA,
        ],
    )(dst2)


def _agg_call(src2, dst2, y, npad, nb):
    rpt = npad // NS
    nch = 2
    chb = nb // nch
    NBUF = 2

    def body(src_hbm, dst_hbm, y_hbm, out_hbm, sidx_v, didx_v,
             r0v, r1v, acc_sh, g0, g1):
        rows = [r0v, r1v]
        sems = [g0, g1]
        c = lax.axis_index("c")
        s = lax.axis_index("s")
        wid = c * NS + s
        r0 = s * rpt

        pltpu.sync_copy(y_hbm.at[pl.ds(r0, rpt)], acc_sh.at[pl.ds(r0, rpt)])
        plsc.subcore_barrier()

        def run_chunk():
            for j in range(NBUF):
                pltpu.async_copy(y_hbm.at[sidx_v.at[j]], rows[j], sems[j])

            def step(i, _):
                b0 = NBUF * i
                for j in range(NBUF):
                    pltpu.make_async_copy(
                        y_hbm.at[sidx_v.at[b0 + j]], rows[j], sems[j]).wait()
                    pltpu.sync_copy(rows[j], acc_sh.at[didx_v.at[b0 + j]],
                                    add=True)
                    pltpu.async_copy(
                        y_hbm.at[sidx_v.at[b0 + NBUF + j]], rows[j], sems[j])
                return 0

            lax.fori_loop(0, chb // NBUF - 1, step, 0)
            for j in range(NBUF):
                b = chb - NBUF + j
                pltpu.make_async_copy(
                    y_hbm.at[sidx_v.at[b]], rows[j], sems[j]).wait()
                pltpu.sync_copy(rows[j], acc_sh.at[didx_v.at[b]], add=True)

        for ch in range(nch):
            pltpu.sync_copy(src_hbm.at[wid, pl.ds(ch * chb, chb)], sidx_v)
            pltpu.sync_copy(dst_hbm.at[wid, pl.ds(ch * chb, chb)], didx_v)
            run_chunk()
        plsc.subcore_barrier()
        pltpu.sync_copy(acc_sh.at[pl.ds(r0, rpt)],
                        out_hbm.at[c, pl.ds(r0, rpt)])

    return pl.kernel(
        body,
        out_type=jax.ShapeDtypeStruct((NC, npad, D), jnp.float32),
        mesh=_mesh(),
        scratch_types=[
            pltpu.VMEM((chb, EB), jnp.int32),
            pltpu.VMEM((chb, EB), jnp.int32),
            pltpu.VMEM((EB, D), jnp.float32),
            pltpu.VMEM((EB, D), jnp.float32),
            pltpu.VMEM_SHARED((npad, D), jnp.float32),
            pltpu.SemaphoreType.DMA,
            pltpu.SemaphoreType.DMA,
        ],
    )(src2, dst2, y)


def _y_call(xp, W, degp, npad):
    rb = 1024
    grid = npad // rb

    def body(x_ref, w_ref, degp_ref, y_ref):
        deg = degp_ref[0, :] + degp_ref[1, :] + 1.0
        dinv = lax.rsqrt(deg)
        xw = jnp.dot(x_ref[...], w_ref[...],
                     preferred_element_type=jnp.float32)
        y_ref[...] = xw * dinv[:, None]

    return pl.pallas_call(
        body,
        out_shape=jax.ShapeDtypeStruct((npad, D), jnp.float32),
        grid=(grid,),
        in_specs=[
            pl.BlockSpec((rb, D), lambda j: (j, 0)),
            pl.BlockSpec((D, D), lambda j: (0, 0)),
            pl.BlockSpec((NC, rb), lambda j: (0, j)),
        ],
        out_specs=pl.BlockSpec((rb, D), lambda j: (j, 0)),
    )(xp, W, degp)


def _final_call(P, y, degp, b2, npad):
    rb = 1024
    grid = npad // rb

    def body(p_ref, y_ref, degp_ref, b_ref, o_ref):
        deg = degp_ref[0, :] + degp_ref[1, :] + 1.0
        dinv = lax.rsqrt(deg)
        ssum = p_ref[0, :, :] + p_ref[1, :, :] - y_ref[...]
        o_ref[...] = jnp.maximum(
            ssum * dinv[:, None] + b_ref[0, :][None, :], 0.0)

    return pl.pallas_call(
        body,
        out_shape=jax.ShapeDtypeStruct((npad, D), jnp.float32),
        grid=(grid,),
        in_specs=[
            pl.BlockSpec((NC, rb, D), lambda j: (0, j, 0)),
            pl.BlockSpec((rb, D), lambda j: (j, 0)),
            pl.BlockSpec((NC, rb), lambda j: (0, j)),
            pl.BlockSpec((1, D), lambda j: (0, 0)),
        ],
        out_specs=pl.BlockSpec((rb, D), lambda j: (j, 0)),
    )(P, y, degp, b2)


def kernel(x, edge_index, W, b):
    n = x.shape[0]
    e = edge_index.shape[1]
    npad = ((n + 1024) // 1024) * 1024
    ept = ((e + NW - 1) // NW + 16 * EB - 1) // (16 * EB) * (16 * EB)
    nb = ept // EB
    epad = ept * NW

    src = edge_index[0].astype(jnp.int32)
    dst = edge_index[1].astype(jnp.int32)
    pad = jnp.arange(epad - e, dtype=jnp.int32)
    src2 = jnp.concatenate([src, pad % n]).reshape(NW, nb, EB)
    dst2 = jnp.concatenate([dst, n + pad % (npad - n)]).reshape(NW, nb, EB)
    xp = jnp.pad(x, ((0, npad - n), (0, 0)))

    degp = _deg_call(dst2, npad, nb)
    y = _y_call(xp, W, degp, npad)
    P = _agg_call(src2, dst2, y, npad, nb)
    return _final_call(P, y, degp, b.reshape(1, D), npad)[:n]

# --- scband reference (transcript-rebuilt; emitter-appended) ---
"""Pipeline reference for scband-gcnlayer-4217657884682 (READ-ONLY COPY).

The authoritative reference and input builder live on the scoring server;
editing this copy changes nothing except your own understanding.
"""

import jax, jax.numpy as jnp
import numpy as np

N_NODES = 10000
N_EDGES = 320000
IN_DIM = 128
OUT_DIM = 128


def setup_inputs(seed: int = 0) -> dict:
    key = jax.random.key(seed)
    k1, k2, k3, k4 = jax.random.split(key, 4)
    x = jax.random.normal(k1, (N_NODES, IN_DIM), dtype=jnp.float32)
    edge_index = jax.random.randint(k2, (2, N_EDGES), 0, N_NODES, dtype=jnp.int64)
    # Glorot init for GCNConv weight, zeros bias (PyG defaults)
    limit = float(np.sqrt(6.0 / (IN_DIM + OUT_DIM)))
    W = jax.random.uniform(k3, (IN_DIM, OUT_DIM), minval=-limit, maxval=limit, dtype=jnp.float32)
    b = jnp.zeros((OUT_DIM,), dtype=jnp.float32)
    return {"x": x, "edge_index": edge_index, "W": W, "b": b}


def reference(x, edge_index, W, b):
    # Faithful GCNConv (Kipf & Welling) with add_self_loops=True, normalize=True,
    # followed by ReLU, matching GCNLayer.forward.
    N = x.shape[0]
    src = edge_index[0]
    dst = edge_index[1]
    # add self loops
    loop = jnp.arange(N, dtype=src.dtype)
    src = jnp.concatenate([src, loop])
    dst = jnp.concatenate([dst, loop])
    # linear transform first (PyG applies lin before propagate)
    xw = x @ W
    # symmetric normalization D^{-1/2} A D^{-1/2} with edge_weight=1
    ones = jnp.ones(src.shape[0], dtype=xw.dtype)
    deg = jnp.zeros((N,), dtype=xw.dtype).at[dst].add(ones)
    deg_inv_sqrt = jnp.where(deg > 0, 1.0 / jnp.sqrt(deg), 0.0)
    norm = deg_inv_sqrt[src] * deg_inv_sqrt[dst]
    # gather-scale-scatter (message passing, sum aggregation)
    msgs = xw[src] * norm[:, None]
    out = jnp.zeros((N, xw.shape[1]), dtype=xw.dtype).at[dst].add(msgs)
    out = out + b
    return jax.nn.relu(out)

if __name__ == "__main__":
    import jax
    _d = setup_inputs()
    print(jax.jit(kernel)(*tuple(_d.values())))

</pallas_src>

<mosaic_0001>
#map = affine_map<(d0, d1) -> (0, 0, 0)>
#map1 = affine_map<(d0, d1) -> (0, 0)>
module attributes {stable_mosaic.version = 14 : i64} {
  func.func @body(%arg0: i32, %arg1: i32, %arg2: memref<32x80x128xi32, #tpu.memory_space<hbm>>, %arg3: memref<2x10240xf32, #tpu.memory_space<hbm>>, %arg4: memref<80x128xi32, #tpu.memory_space<vmem>>, %arg5: memref<128xf32, #tpu.memory_space<vmem>>, %arg6: memref<640xf32, #tpu.memory_space<vmem>>, %arg7: memref<10240xf32, #tpu.memory_space<vmem_shared>>, %arg8: memref<!tpu.dma_semaphore, #tpu.memory_space<semaphore_mem>>) attributes {dimension_semantics = [#tpu.dimension_semantics<core_parallel>, #tpu.dimension_semantics<subcore_parallel>], iteration_bounds = array<i64: 2, 16>, scalar_prefetch = 0 : i64, scratch_operands = 5 : i64, tpu.core_type = #tpu.core_type<sc_vector_subcore>, window_params = [{transform_indices = #map}, {transform_indices = #map1}]} {
    %mul3A = arith.constant 16 : i32
    %mul3A_0 = arith.muli %arg0, %mul3A : i32
    %add3A = arith.addi %mul3A_0, %arg1 : i32
    "tpu.region"() ({
      %run_scoped3A = tpu.sem_alloc : memref<!tpu.dma_semaphore, #tpu.memory_space<semaphore_mem>>
      %dma_start3A = arith.constant 0 : i32
      %dma_start3A_211 = arith.constant 0 : i32
      %dma_start3A_212 = tpu.memref_slice %arg2[%add3A, %dma_start3A, %dma_start3A_211] : memref<32x80x128xi32, #tpu.memory_space<hbm>> -> memref<1x80x128xi32, #tpu.memory_space<hbm>>
      %dma_start3A_213 = tpu.memref_squeeze %dma_start3A_212 : memref<1x80x128xi32, #tpu.memory_space<hbm>> -> memref<80x128xi32, #tpu.memory_space<hbm>>
      %dma_start3A_214 = arith.constant 0 : i32
      %dma_start3A_215 = arith.constant 0 : i32
      %dma_start3A_216 = tpu.memref_slice %arg2[%add3A, %dma_start3A_214, %dma_start3A_215] : memref<32x80x128xi32, #tpu.memory_space<hbm>> -> memref<1x80x128xi32, #tpu.memory_space<hbm>>
      %dma_start3A_217 = tpu.memref_squeeze %dma_start3A_216 : memref<1x80x128xi32, #tpu.memory_space<hbm>> -> memref<80x128xi32, #tpu.memory_space<hbm>>
      tpu.enqueue_dma source(%dma_start3A_217 : memref<80x128xi32, #tpu.memory_space<hbm>>) target(%arg4 : memref<80x128xi32, #tpu.memory_space<vmem>>) target_semaphore(%run_scoped3A : memref<!tpu.dma_semaphore, #tpu.memory_space<semaphore_mem>>)
      %dma_wait3A_218 = arith.constant 0 : i32
      %dma_wait3A_219 = arith.constant 0 : i32
      %dma_wait3A_220 = tpu.memref_slice %arg2[%add3A, %dma_wait3A_218, %dma_wait3A_219] : memref<32x80x128xi32, #tpu.memory_space<hbm>> -> memref<1x80x128xi32, #tpu.memory_space<hbm>>
      %dma_wait3A_221 = tpu.memref_squeeze %dma_wait3A_220 : memref<1x80x128xi32, #tpu.memory_space<hbm>> -> memref<80x128xi32, #tpu.memory_space<hbm>>
      %dma_wait3A_222 = arith.constant 0 : i32
      %dma_wait3A_223 = arith.constant 0 : i32
      %dma_wait3A_224 = tpu.memref_slice %arg2[%add3A, %dma_wait3A_222, %dma_wait3A_223] : memref<32x80x128xi32, #tpu.memory_space<hbm>> -> memref<1x80x128xi32, #tpu.memory_space<hbm>>
      %dma_wait3A_225 = tpu.memref_squeeze %dma_wait3A_224 : memref<1x80x128xi32, #tpu.memory_space<hbm>> -> memref<80x128xi32, #tpu.memory_space<hbm>>
      tpu.wait_dma2 semaphore(%run_scoped3A : memref<!tpu.dma_semaphore, #tpu.memory_space<semaphore_mem>>) src(%dma_wait3A_225 : memref<80x128xi32, #tpu.memory_space<hbm>>) dst(%arg4 : memref<80x128xi32, #tpu.memory_space<vmem>>)
      tpu.yield
    }) : () -> ()
    %broadcast_in_dim3A = arith.constant 1.000000e+00 : f32
    %broadcast_in_dim3A_1 = vector.broadcast %broadcast_in_dim3A : f32 to vector<16xf32>
    %swap3A = arith.constant 0 : index
    %swap3A_2 = tpu.vector_load %arg5[%swap3A] {strides = array<i32>} : memref<128xf32, #tpu.memory_space<vmem>>, vector<16xf32>,
    %swap3A_3 = vector.shape_cast %swap3A_2 : vector<16xf32> to vector<16xf32>
    %swap3A_4 = vector.shape_cast %broadcast_in_dim3A_1 : vector<16xf32> to vector<16xf32>
    tpu.vector_store %arg5[%swap3A], %swap3A_4 {strides = array<i32>} : memref<128xf32, #tpu.memory_space<vmem>>, vector<16xf32>,
    %swap3A_5 = arith.constant 16 : index
    %swap3A_6 = tpu.vector_load %arg5[%swap3A_5] {strides = array<i32>} : memref<128xf32, #tpu.memory_space<vmem>>, vector<16xf32>,
    %swap3A_7 = vector.shape_cast %swap3A_6 : vector<16xf32> to vector<16xf32>
    %swap3A_8 = vector.shape_cast %broadcast_in_dim3A_1 : vector<16xf32> to vector<16xf32>
    tpu.vector_store %arg5[%swap3A_5], %swap3A_8 {strides = array<i32>} : memref<128xf32, #tpu.memory_space<vmem>>, vector<16xf32>,
    %swap3A_9 = arith.constant 32 : index
    %swap3A_10 = tpu.vector_load %arg5[%swap3A_9] {strides = array<i32>} : memref<128xf32, #tpu.memory_space<vmem>>, vector<16xf32>,
    %swap3A_11 = vector.shape_cast %swap3A_10 : vector<16xf32> to vector<16xf32>
    %swap3A_12 = vector.shape_cast %broadcast_in_dim3A_1 : vector<16xf32> to vector<16xf32>
    tpu.vector_store %arg5[%swap3A_9], %swap3A_12 {strides = array<i32>} : memref<128xf32, #tpu.memory_space<vmem>>, vector<16xf32>,
    %swap3A_13 = arith.constant 48 : index
    %swap3A_14 = tpu.vector_load %arg5[%swap3A_13] {strides = array<i32>} : memref<128xf32, #tpu.memory_space<vmem>>, vector<16xf32>,
    %swap3A_15 = vector.shape_cast %swap3A_14 : vector<16xf32> to vector<16xf32>
    %swap3A_16 = vector.shape_cast %broadcast_in_dim3A_1 : vector<16xf32> to vector<16xf32>
    tpu.vector_store %arg5[%swap3A_13], %swap3A_16 {strides = array<i32>} : memref<128xf32, #tpu.memory_space<vmem>>, vector<16xf32>,
    %swap3A_17 = arith.constant 64 : index
    %swap3A_18 = tpu.vector_load %arg5[%swap3A_17] {strides = array<i32>} : memref<128xf32, #tpu.memory_space<vmem>>, vector<16xf32>,
    %swap3A_19 = vector.shape_cast %swap3A_18 : vector<16xf32> to vector<16xf32>
    %swap3A_20 = vector.shape_cast %broadcast_in_dim3A_1 : vector<16xf32> to vector<16xf32>
    tpu.vector_store %arg5[%swap3A_17], %swap3A_20 {strides = array<i32>} : memref<128xf32, #tpu.memory_space<vmem>>, vector<16xf32>,
    %swap3A_21 = arith.constant 80 : index
    %swap3A_22 = tpu.vector_load %arg5[%swap3A_21] {strides = array<i32>} : memref<128xf32, #tpu.memory_space<vmem>>, vector<16xf32>,
    %swap3A_23 = vector.shape_cast %swap3A_22 : vector<16xf32> to vector<16xf32>
    %swap3A_24 = vector.shape_cast %broadcast_in_dim3A_1 : vector<16xf32> to vector<16xf32>
    tpu.vector_store %arg5[%swap3A_21], %swap3A_24 {strides = array<i32>} : memref<128xf32, #tpu.memory_space<vmem>>, vector<16xf32>,
    %swap3A_25 = arith.constant 96 : index
    %swap3A_26 = tpu.vector_load %arg5[%swap3A_25] {strides = array<i32>} : memref<128xf32, #tpu.memory_space<vmem>>, vector<16xf32>,
    %swap3A_27 = vector.shape_cast %swap3A_26 : vector<16xf32> to vector<16xf32>
    %swap3A_28 = vector.shape_cast %broadcast_in_dim3A_1 : vector<16xf32> to vector<16xf32>
    tpu.vector_store %arg5[%swap3A_25], %swap3A_28 {strides = array<i32>} : memref<128xf32, #tpu.memory_space<vmem>>, vector<16xf32>,
    %swap3A_29 = arith.constant 112 : index
    %swap3A_30 = tpu.vector_load %arg5[%swap3A_29] {strides = array<i32>} : memref<128xf32, #tpu.memory_space<vmem>>, vector<16xf32>,
    %swap3A_31 = vector.shape_cast %swap3A_30 : vector<16xf32> to vector<16xf32>
    %swap3A_32 = vector.shape_cast %broadcast_in_dim3A_1 : vector<16xf32> to vector<16xf32>
    tpu.vector_store %arg5[%swap3A_29], %swap3A_32 {strides = array<i32>} : memref<128xf32, #tpu.memory_space<vmem>>, vector<16xf32>,
    %broadcast_in_dim3A_33 = arith.constant 0.000000e+00 : f32
    %broadcast_in_dim3A_34 = vector.broadcast %broadcast_in_dim3A_33 : f32 to vector<16xf32>
    %swap3A_35 = arith.constant 0 : index
    %swap3A_36 = tpu.vector_load %arg6[%swap3A_35] {strides = array<i32>} : memref<640xf32, #tpu.memory_space<vmem>>, vector<16xf32>,
    %swap3A_37 = vector.shape_cast %swap3A_36 : vector<16xf32> to vector<16xf32>
    %swap3A_38 = vector.shape_cast %broadcast_in_dim3A_34 : vector<16xf32> to vector<16xf32>
    tpu.vector_store %arg6[%swap3A_35], %swap3A_38 {strides = array<i32>} : memref<640xf32, #tpu.memory_space<vmem>>, vector<16xf32>,
    %swap3A_39 = arith.constant 16 : index
    %swap3A_40 = tpu.vector_load %arg6[%swap3A_39] {strides = array<i32>} : memref<640xf32, #tpu.memory_space<vmem>>, vector<16xf32>,
    %swap3A_41 = vector.shape_cast %swap3A_40 : vector<16xf32> to vector<16xf32>
    %swap3A_42 = vector.shape_cast %broadcast_in_dim3A_34 : vector<16xf32> to vector<16xf32>
    tpu.vector_store %arg6[%swap3A_39], %swap3A_42 {strides = array<i32>} : memref<640xf32, #tpu.memory_space<vmem>>, vector<16xf32>,
    %swap3A_43 = arith.constant 32 : index
    %swap3A_44 = tpu.vector_load %arg6[%swap3A_43] {strides = array<i32>} : memref<640xf32, #tpu.memory_space<vmem>>, vector<16xf32>,
    %swap3A_45 = vector.shape_cast %swap3A_44 : vector<16xf32> to vector<16xf32>
    %swap3A_46 = vector.shape_cast %broadcast_in_dim3A_34 : vector<16xf32> to vector<16xf32>
    tpu.vector_store %arg6[%swap3A_43], %swap3A_46 {strides = array<i32>} : memref<640xf32, #tpu.memory_space<vmem>>, vector<16xf32>,
    %swap3A_47 = arith.constant 48 : index
    %swap3A_48 = tpu.vector_load %arg6[%swap3A_47] {strides = array<i32>} : memref<640xf32, #tpu.memory_space<vmem>>, vector<16xf32>,
    %swap3A_49 = vector.shape_cast %swap3A_48 : vector<16xf32> to vector<16xf32>
    %swap3A_50 = vector.shape_cast %broadcast_in_dim3A_34 : vector<16xf32> to vector<16xf32>
    tpu.vector_store %arg6[%swap3A_47], %swap3A_50 {strides = array<i32>} : memref<640xf32, #tpu.memory_space<vmem>>, vector<16xf32>,
    %swap3A_51 = arith.constant 64 : index
    %swap3A_52 = tpu.vector_load %arg6[%swap3A_51] {strides = array<i32>} : memref<640xf32, #tpu.memory_space<vmem>>, vector<16xf32>,
    %swap3A_53 = vector.shape_cast %swap3A_52 : vector<16xf32> to vector<16xf32>
    %swap3A_54 = vector.shape_cast %broadcast_in_dim3A_34 : vector<16xf32> to vector<16xf32>
    tpu.vector_store %arg6[%swap3A_51], %swap3A_54 {strides = array<i32>} : memref<640xf32, #tpu.memory_space<vmem>>, vector<16xf32>,
    %swap3A_55 = arith.constant 80 : index
    %swap3A_56 = tpu.vector_load %arg6[%swap3A_55] {strides = array<i32>} : memref<640xf32, #tpu.memory_space<vmem>>, vector<16xf32>,
    %swap3A_57 = vector.shape_cast %swap3A_56 : vector<16xf32> to vector<16xf32>
    %swap3A_58 = vector.shape_cast %broadcast_in_dim3A_34 : vector<16xf32> to vector<16xf32>
    tpu.vector_store %arg6[%swap3A_55], %swap3A_58 {strides = array<i32>} : memref<640xf32, #tpu.memory_space<vmem>>, vector<16xf32>,
    %swap3A_59 = arith.constant 96 : index
    %swap3A_60 = tpu.vector_load %arg6[%swap3A_59] {strides = array<i32>} : memref<640xf32, #tpu.memory_space<vmem>>, vector<16xf32>,
    %swap3A_61 = vector.shape_cast %swap3A_60 : vector<16xf32> to vector<16xf32>
    %swap3A_62 = vector.shape_cast %broadcast_in_dim3A_34 : vector<16xf32> to vector<16xf32>
    tpu.vector_store %arg6[%swap3A_59], %swap3A_62 {strides = array<i32>} : memref<640xf32, #tpu.memory_space<vmem>>, vector<16xf32>,
    %swap3A_63 = arith.constant 112 : index
    %swap3A_64 = tpu.vector_load %arg6[%swap3A_63] {strides = array<i32>} : memref<640xf32, #tpu.memory_space<vmem>>, vector<16xf32>,
    %swap3A_65 = vector.shape_cast %swap3A_64 : vector<16xf32> to vector<16xf32>
    %swap3A_66 = vector.shape_cast %broadcast_in_dim3A_34 : vector<16xf32> to vector<16xf32>
    tpu.vector_store %arg6[%swap3A_63], %swap3A_66 {strides = array<i32>} : memref<640xf32, #tpu.memory_space<vmem>>, vector<16xf32>,
    %swap3A_67 = arith.constant 128 : index
    %swap3A_68 = tpu.vector_load %arg6[%swap3A_67] {strides = array<i32>} : memref<640xf32, #tpu.memory_space<vmem>>, vector<16xf32>,
    %swap3A_69 = vector.shape_cast %swap3A_68 : vector<16xf32> to vector<16xf32>
    %swap3A_70 = vector.shape_cast %broadcast_in_dim3A_34 : vector<16xf32> to vector<16xf32>
    tpu.vector_store %arg6[%swap3A_67], %swap3A_70 {strides = array<i32>} : memref<640xf32, #tpu.memory_space<vmem>>, vector<16xf32>,
    %swap3A_71 = arith.constant 144 : index
    %swap3A_72 = tpu.vector_load %arg6[%swap3A_71] {strides = array<i32>} : memref<640xf32, #tpu.memory_space<vmem>>, vector<16xf32>,
    %swap3A_73 = vector.shape_cast %swap3A_72 : vector<16xf32> to vector<16xf32>
    %swap3A_74 = vector.shape_cast %broadcast_in_dim3A_34 : vector<16xf32> to vector<16xf32>
    tpu.vector_store %arg6[%swap3A_71], %swap3A_74 {strides = array<i32>} : memref<640xf32, #tpu.memory_space<vmem>>, vector<16xf32>,
    %swap3A_75 = arith.constant 160 : index
    %swap3A_76 = tpu.vector_load %arg6[%swap3A_75] {strides = array<i32>} : memref<640xf32, #tpu.memory_space<vmem>>, vector<16xf32>,
    %swap3A_77 = vector.shape_cast %swap3A_76 : vector<16xf32> to vector<16xf32>
    %swap3A_78 = vector.shape_cast %broadcast_in_dim3A_34 : vector<16xf32> to vector<16xf32>
    tpu.vector_store %arg6[%swap3A_75], %swap3A_78 {strides = array<i32>} : memref<640xf32, #tpu.memory_space<vmem>>, vector<16xf32>,
    %swap3A_79 = arith.constant 176 : index
    %swap3A_80 = tpu.vector_load %arg6[%swap3A_79] {strides = array<i32>} : memref<640xf32, #tpu.memory_space<vmem>>, vector<16xf32>,
    %swap3A_81 = vector.shape_cast %swap3A_80 : vector<16xf32> to vector<16xf32>
    %swap3A_82 = vector.shape_cast %broadcast_in_dim3A_34 : vector<16xf32> to vector<16xf32>
    tpu.vector_store %arg6[%swap3A_79], %swap3A_82 {strides = array<i32>} : memref<640xf32, #tpu.memory_space<vmem>>, vector<16xf32>,
    %swap3A_83 = arith.constant 192 : index
    %swap3A_84 = tpu.vector_load %arg6[%swap3A_83] {strides = array<i32>} : memref<640xf32, #tpu.memory_space<vmem>>, vector<16xf32>,
    %swap3A_85 = vector.shape_cast %swap3A_84 : vector<16xf32> to vector<16xf32>
    %swap3A_86 = vector.shape_cast %broadcast_in_dim3A_34 : vector<16xf32> to vector<16xf32>
    tpu.vector_store %arg6[%swap3A_83], %swap3A_86 {strides = array<i32>} : memref<640xf32, #tpu.memory_space<vmem>>, vector<16xf32>,
    %swap3A_87 = arith.constant 208 : index
    %swap3A_88 = tpu.vector_load %arg6[%swap3A_87] {strides = array<i32>} : memref<640xf32, #tpu.memory_space<vmem>>, vector<16xf32>,
    %swap3A_89 = vector.shape_cast %swap3A_88 : vector<16xf32> to vector<16xf32>
    %swap3A_90 = vector.shape_cast %broadcast_in_dim3A_34 : vector<16xf32> to vector<16xf32>
    tpu.vector_store %arg6[%swap3A_87], %swap3A_90 {strides = array<i32>} : memref<640xf32, #tpu.memory_space<vmem>>, vector<16xf32>,
    %swap3A_91 = arith.constant 224 : index
    %swap3A_92 = tpu.vector_load %arg6[%swap3A_91] {strides = array<i32>} : memref<640xf32, #tpu.memory_space<vmem>>, vector<16xf32>,
    %swap3A_93 = vector.shape_cast %swap3A_92 : vector<16xf32> to vector<16xf32>
    %swap3A_94 = vector.shape_cast %broadcast_in_dim3A_34 : vector<16xf32> to vector<16xf32>
    tpu.vector_store %arg6[%swap3A_91], %swap3A_94 {strides = array<i32>} : memref<640xf32, #tpu.memory_space<vmem>>, vector<16xf32>,
    %swap3A_95 = arith.constant 240 : index
    %swap3A_96 = tpu.vector_load %arg6[%swap3A_95] {strides = array<i32>} : memref<640xf32, #tpu.memory_space<vmem>>, vector<16xf32>,
    %swap3A_97 = vector.shape_cast %swap3A_96 : vector<16xf32> to vector<16xf32>
    %swap3A_98 = vector.shape_cast %broadcast_in_dim3A_34 : vector<16xf32> to vector<16xf32>
    tpu.vector_store %arg6[%swap3A_95], %swap3A_98 {strides = array<i32>} : memref<640xf32, #tpu.memory_space<vmem>>, vector<16xf32>,
    %swap3A_99 = arith.constant 256 : index
    %swap3A_100 = tpu.vector_load %arg6[%swap3A_99] {strides = array<i32>} : memref<640xf32, #tpu.memory_space<vmem>>, vector<16xf32>,
    %swap3A_101 = vector.shape_cast %swap3A_100 : vector<16xf32> to vector<16xf32>
    %swap3A_102 = vector.shape_cast %broadcast_in_dim3A_34 : vector<16xf32> to vector<16xf32>
    tpu.vector_store %arg6[%swap3A_99], %swap3A_102 {strides = array<i32>} : memref<640xf32, #tpu.memory_space<vmem>>, vector<16xf32>,
    %swap3A_103 = arith.constant 272 : index
    %swap3A_104 = tpu.vector_load %arg6[%swap3A_103] {strides = array<i32>} : memref<640xf32, #tpu.memory_space<vmem>>, vector<16xf32>,
    %swap3A_105 = vector.shape_cast %swap3A_104 : vector<16xf32> to vector<16xf32>
    %swap3A_106 = vector.shape_cast %broadcast_in_dim3A_34 : vector<16xf32> to vector<16xf32>
    tpu.vector_store %arg6[%swap3A_103], %swap3A_106 {strides = array<i32>} : memref<640xf32, #tpu.memory_space<vmem>>, vector<16xf32>,
    %swap3A_107 = arith.constant 288 : index
    %swap3A_108 = tpu.vector_load %arg6[%swap3A_107] {strides = array<i32>} : memref<640xf32, #tpu.memory_space<vmem>>, vector<16xf32>,
    %swap3A_109 = vector.shape_cast %swap3A_108 : vector<16xf32> to vector<16xf32>
    %swap3A_110 = vector.shape_cast %broadcast_in_dim3A_34 : vector<16xf32> to vector<16xf32>
    tpu.vector_store %arg6[%swap3A_107], %swap3A_110 {strides = array<i32>} : memref<640xf32, #tpu.memory_space<vmem>>, vector<16xf32>,
    %swap3A_111 = arith.constant 304 : index
    %swap3A_112 = tpu.vector_load %arg6[%swap3A_111] {strides = array<i32>} : memref<640xf32, #tpu.memory_space<vmem>>, vector<16xf32>,
    %swap3A_113 = vector.shape_cast %swap3A_112 : vector<16xf32> to vector<16xf32>
    %swap3A_114 = vector.shape_cast %broadcast_in_dim3A_34 : vector<16xf32> to vector<16xf32>
    tpu.vector_store %arg6[%swap3A_111], %swap3A_114 {strides = array<i32>} : memref<640xf32, #tpu.memory_space<vmem>>, vector<16xf32>,
    %swap3A_115 = arith.constant 320 : index
    %swap3A_116 = tpu.vector_load %arg6[%swap3A_115] {strides = array<i32>} : memref<640xf32, #tpu.memory_space<vmem>>, vector<16xf32>,
    %swap3A_117 = vector.shape_cast %swap3A_116 : vector<16xf32> to vector<16xf32>
    %swap3A_118 = vector.shape_cast %broadcast_in_dim3A_34 : vector<16xf32> to vector<16xf32>
    tpu.vector_store %arg6[%swap3A_115], %swap3A_118 {strides = array<i32>} : memref<640xf32, #tpu.memory_space<vmem>>, vector<16xf32>,
    %swap3A_119 = arith.constant 336 : index
    %swap3A_120 = tpu.vector_load %arg6[%swap3A_119] {strides = array<i32>} : memref<640xf32, #tpu.memory_space<vmem>>, vector<16xf32>,
    %swap3A_121 = vector.shape_cast %swap3A_120 : vector<16xf32> to vector<16xf32>
    %swap3A_122 = vector.shape_cast %broadcast_in_dim3A_34 : vector<16xf32> to vector<16xf32>
    tpu.vector_store %arg6[%swap3A_119], %swap3A_122 {strides = array<i32>} : memref<640xf32, #tpu.memory_space<vmem>>, vector<16xf32>,
    %swap3A_123 = arith.constant 352 : index
    %swap3A_124 = tpu.vector_load %arg6[%swap3A_123] {strides = array<i32>} : memref<640xf32, #tpu.memory_space<vmem>>, vector<16xf32>,
    %swap3A_125 = vector.shape_cast %swap3A_124 : vector<16xf32> to vector<16xf32>
    %swap3A_126 = vector.shape_cast %broadcast_in_dim3A_34 : vector<16xf32> to vector<16xf32>
    tpu.vector_store %arg6[%swap3A_123], %swap3A_126 {strides = array<i32>} : memref<640xf32, #tpu.memory_space<vmem>>, vector<16xf32>,
    %swap3A_127 = arith.constant 368 : index
    %swap3A_128 = tpu.vector_load %arg6[%swap3A_127] {strides = array<i32>} : memref<640xf32, #tpu.memory_space<vmem>>, vector<16xf32>,
    %swap3A_129 = vector.shape_cast %swap3A_128 : vector<16xf32> to vector<16xf32>
    %swap3A_130 = vector.shape_cast %broadcast_in_dim3A_34 : vector<16xf32> to vector<16xf32>
    tpu.vector_store %arg6[%swap3A_127], %swap3A_130 {strides = array<i32>} : memref<640xf32, #tpu.memory_space<vmem>>, vector<16xf32>,
    %swap3A_131 = arith.constant 384 : index
    %swap3A_132 = tpu.vector_load %arg6[%swap3A_131] {strides = array<i32>} : memref<640xf32, #tpu.memory_space<vmem>>, vector<16xf32>,
    %swap3A_133 = vector.shape_cast %swap3A_132 : vector<16xf32> to vector<16xf32>
    %swap3A_134 = vector.shape_cast %broadcast_in_dim3A_34 : vector<16xf32> to vector<16xf32>
    tpu.vector_store %arg6[%swap3A_131], %swap3A_134 {strides = array<i32>} : memref<640xf32, #tpu.memory_space<vmem>>, vector<16xf32>,
    %swap3A_135 = arith.constant 400 : index
    %swap3A_136 = tpu.vector_load %arg6[%swap3A_135] {strides = array<i32>} : memref<640xf32, #tpu.memory_space<vmem>>, vector<16xf32>,
    %swap3A_137 = vector.shape_cast %swap3A_136 : vector<16xf32> to vector<16xf32>
    %swap3A_138 = vector.shape_cast %broadcast_in_dim3A_34 : vector<16xf32> to vector<16xf32>
    tpu.vector_store %arg6[%swap3A_135], %swap3A_138 {strides = array<i32>} : memref<640xf32, #tpu.memory_space<vmem>>, vector<16xf32>,
    %swap3A_139 = arith.constant 416 : index
    %swap3A_140 = tpu.vector_load %arg6[%swap3A_139] {strides = array<i32>} : memref<640xf32, #tpu.memory_space<vmem>>, vector<16xf32>,
    %swap3A_141 = vector.shape_cast %swap3A_140 : vector<16xf32> to vector<16xf32>
    %swap3A_142 = vector.shape_cast %broadcast_in_dim3A_34 : vector<16xf32> to vector<16xf32>
    tpu.vector_store %arg6[%swap3A_139], %swap3A_142 {strides = array<i32>} : memref<640xf32, #tpu.memory_space<vmem>>, vector<16xf32>,
    %swap3A_143 = arith.constant 432 : index
    %swap3A_144 = tpu.vector_load %arg6[%swap3A_143] {strides = array<i32>} : memref<640xf32, #tpu.memory_space<vmem>>, vector<16xf32>,
    %swap3A_145 = vector.shape_cast %swap3A_144 : vector<16xf32> to vector<16xf32>
    %swap3A_146 = vector.shape_cast %broadcast_in_dim3A_34 : vector<16xf32> to vector<16xf32>
    tpu.vector_store %arg6[%swap3A_143], %swap3A_146 {strides = array<i32>} : memref<640xf32, #tpu.memory_space<vmem>>, vector<16xf32>,
    %swap3A_147 = arith.constant 448 : index
    %swap3A_148 = tpu.vector_load %arg6[%swap3A_147] {strides = array<i32>} : memref<640xf32, #tpu.memory_space<vmem>>, vector<16xf32>,
    %swap3A_149 = vector.shape_cast %swap3A_148 : vector<16xf32> to vector<16xf32>
    %swap3A_150 = vector.shape_cast %broadcast_in_dim3A_34 : vector<16xf32> to vector<16xf32>
    tpu.vector_store %arg6[%swap3A_147], %swap3A_150 {strides = array<i32>} : memref<640xf32, #tpu.memory_space<vmem>>, vector<16xf32>,
    %swap3A_151 = arith.constant 464 : index
    %swap3A_152 = tpu.vector_load %arg6[%swap3A_151] {strides = array<i32>} : memref<640xf32, #tpu.memory_space<vmem>>, vector<16xf32>,
    %swap3A_153 = vector.shape_cast %swap3A_152 : vector<16xf32> to vector<16xf32>
    %swap3A_154 = vector.shape_cast %broadcast_in_dim3A_34 : vector<16xf32> to vector<16xf32>
    tpu.vector_store %arg6[%swap3A_151], %swap3A_154 {strides = array<i32>} : memref<640xf32, #tpu.memory_space<vmem>>, vector<16xf32>,
    %swap3A_155 = arith.constant 480 : index
    %swap3A_156 = tpu.vector_load %arg6[%swap3A_155] {strides = array<i32>} : memref<640xf32, #tpu.memory_space<vmem>>, vector<16xf32>,
    %swap3A_157 = vector.shape_cast %swap3A_156 : vector<16xf32> to vector<16xf32>
    %swap3A_158 = vector.shape_cast %broadcast_in_dim3A_34 : vector<16xf32> to vector<16xf32>
    tpu.vector_store %arg6[%swap3A_155], %swap3A_158 {strides = array<i32>} : memref<640xf32, #tpu.memory_space<vmem>>, vector<16xf32>,
    %swap3A_159 = arith.constant 496 : index
    %swap3A_160 = tpu.vector_load %arg6[%swap3A_159] {strides = array<i32>} : memref<640xf32, #tpu.memory_space<vmem>>, vector<16xf32>,
    %swap3A_161 = vector.shape_cast %swap3A_160 : vector<16xf32> to vector<16xf32>
    %swap3A_162 = vector.shape_cast %broadcast_in_dim3A_34 : vector<16xf32> to vector<16xf32>
    tpu.vector_store %arg6[%swap3A_159], %swap3A_162 {strides = array<i32>} : memref<640xf32, #tpu.memory_space<vmem>>, vector<16xf32>,
    %swap3A_163 = arith.constant 512 : index
    %swap3A_164 = tpu.vector_load %arg6[%swap3A_163] {strides = array<i32>} : memref<640xf32, #tpu.memory_space<vmem>>, vector<16xf32>,
    %swap3A_165 = vector.shape_cast %swap3A_164 : vector<16xf32> to vector<16xf32>
    %swap3A_166 = vector.shape_cast %broadcast_in_dim3A_34 : vector<16xf32> to vector<16xf32>
    tpu.vector_store %arg6[%swap3A_163], %swap3A_166 {strides = array<i32>} : memref<640xf32, #tpu.memory_space<vmem>>, vector<16xf32>,
    %swap3A_167 = arith.constant 528 : index
    %swap3A_168 = tpu.vector_load %arg6[%swap3A_167] {strides = array<i32>} : memref<640xf32, #tpu.memory_space<vmem>>, vector<16xf32>,
    %swap3A_169 = vector.shape_cast %swap3A_168 : vector<16xf32> to vector<16xf32>
    %swap3A_170 = vector.shape_cast %broadcast_in_dim3A_34 : vector<16xf32> to vector<16xf32>
    tpu.vector_store %arg6[%swap3A_167], %swap3A_170 {strides = array<i32>} : memref<640xf32, #tpu.memory_space<vmem>>, vector<16xf32>,
    %swap3A_171 = arith.constant 544 : index
    %swap3A_172 = tpu.vector_load %arg6[%swap3A_171] {strides = array<i32>} : memref<640xf32, #tpu.memory_space<vmem>>, vector<16xf32>,
    %swap3A_173 = vector.shape_cast %swap3A_172 : vector<16xf32> to vector<16xf32>
    %swap3A_174 = vector.shape_cast %broadcast_in_dim3A_34 : vector<16xf32> to vector<16xf32>
    tpu.vector_store %arg6[%swap3A_171], %swap3A_174 {strides = array<i32>} : memref<640xf32, #tpu.memory_space<vmem>>, vector<16xf32>,
    %swap3A_175 = arith.constant 560 : index
    %swap3A_176 = tpu.vector_load %arg6[%swap3A_175] {strides = array<i32>} : memref<640xf32, #tpu.memory_space<vmem>>, vector<16xf32>,
    %swap3A_177 = vector.shape_cast %swap3A_176 : vector<16xf32> to vector<16xf32>
    %swap3A_178 = vector.shape_cast %broadcast_in_dim3A_34 : vector<16xf32> to vector<16xf32>
    tpu.vector_store %arg6[%swap3A_175], %swap3A_178 {strides = array<i32>} : memref<640xf32, #tpu.memory_space<vmem>>, vector<16xf32>,
    %swap3A_179 = arith.constant 576 : index
    %swap3A_180 = tpu.vector_load %arg6[%swap3A_179] {strides = array<i32>} : memref<640xf32, #tpu.memory_space<vmem>>, vector<16xf32>,
    %swap3A_181 = vector.shape_cast %swap3A_180 : vector<16xf32> to vector<16xf32>
    %swap3A_182 = vector.shape_cast %broadcast_in_dim3A_34 : vector<16xf32> to vector<16xf32>
    tpu.vector_store %arg6[%swap3A_179], %swap3A_182 {strides = array<i32>} : memref<640xf32, #tpu.memory_space<vmem>>, vector<16xf32>,
    %swap3A_183 = arith.constant 592 : index
    %swap3A_184 = tpu.vector_load %arg6[%swap3A_183] {strides = array<i32>} : memref<640xf32, #tpu.memory_space<vmem>>, vector<16xf32>,
    %swap3A_185 = vector.shape_cast %swap3A_184 : vector<16xf32> to vector<16xf32>
    %swap3A_186 = vector.shape_cast %broadcast_in_dim3A_34 : vector<16xf32> to vector<16xf32>
    tpu.vector_store %arg6[%swap3A_183], %swap3A_186 {strides = array<i32>} : memref<640xf32, #tpu.memory_space<vmem>>, vector<16xf32>,
    %swap3A_187 = arith.constant 608 : index
    %swap3A_188 = tpu.vector_load %arg6[%swap3A_187] {strides = array<i32>} : memref<640xf32, #tpu.memory_space<vmem>>, vector<16xf32>,
    %swap3A_189 = vector.shape_cast %swap3A_188 : vector<16xf32> to vector<16xf32>
    %swap3A_190 = vector.shape_cast %broadcast_in_dim3A_34 : vector<16xf32> to vector<16xf32>
    tpu.vector_store %arg6[%swap3A_187], %swap3A_190 {strides = array<i32>} : memref<640xf32, #tpu.memory_space<vmem>>, vector<16xf32>,
    %swap3A_191 = arith.constant 624 : index
    %swap3A_192 = tpu.vector_load %arg6[%swap3A_191] {strides = array<i32>} : memref<640xf32, #tpu.memory_space<vmem>>, vector<16xf32>,
    %swap3A_193 = vector.shape_cast %swap3A_192 : vector<16xf32> to vector<16xf32>
    %swap3A_194 = vector.shape_cast %broadcast_in_dim3A_34 : vector<16xf32> to vector<16xf32>
    tpu.vector_store %arg6[%swap3A_191], %swap3A_194 {strides = array<i32>} : memref<640xf32, #tpu.memory_space<vmem>>, vector<16xf32>,
    %mul3A_195 = arith.constant 640 : i32
    %mul3A_196 = arith.muli %arg1, %mul3A_195 : i32
    "tpu.region"() ({
      %run_scoped3A = tpu.sem_alloc : memref<!tpu.dma_semaphore, #tpu.memory_space<semaphore_mem>>
      %dma_start3A = tpu.memref_slice %arg7[%mul3A_196] : memref<10240xf32, #tpu.memory_space<vmem_shared>> -> memref<640xf32, #tpu.memory_space<vmem_shared>>
      %dma_start3A_211 = tpu.memref_slice %arg7[%mul3A_196] : memref<10240xf32, #tpu.memory_space<vmem_shared>> -> memref<640xf32, #tpu.memory_space<vmem_shared>>
      tpu.enqueue_dma source(%arg6 : memref<640xf32, #tpu.memory_space<vmem>>) target(%dma_start3A_211 : memref<640xf32, #tpu.memory_space<vmem_shared>>) target_semaphore(%run_scoped3A : memref<!tpu.dma_semaphore, #tpu.memory_space<semaphore_mem>>)
      %dma_wait3A_212 = tpu.memref_slice %arg7[%mul3A_196] : memref<10240xf32, #tpu.memory_space<vmem_shared>> -> memref<640xf32, #tpu.memory_space<vmem_shared>>
      %dma_wait3A_213 = tpu.memref_slice %arg7[%mul3A_196] : memref<10240xf32, #tpu.memory_space<vmem_shared>> -> memref<640xf32, #tpu.memory_space<vmem_shared>>
      tpu.wait_dma2 semaphore(%run_scoped3A : memref<!tpu.dma_semaphore, #tpu.memory_space<semaphore_mem>>) src(%arg6 : memref<640xf32, #tpu.memory_space<vmem>>) dst(%dma_wait3A_213 : memref<640xf32, #tpu.memory_space<vmem_shared>>)
      tpu.yield
    }) : () -> ()
    %barrier3A = arith.constant 0 : index
    tpu.barrier barrier_id(%barrier3A)
    %scan3A = arith.constant 0 : i32
    %scan3A_197 = arith.constant 0 : i32
    %scan3A_198 = arith.constant 80 : i32
    %scan3A_199 = arith.addi %scan3A_197, %scan3A_198 : i32
    %scan3A_200 = arith.constant 1 : i32
    %scan3A_201 = scf.for %scan3A_211 = %scan3A_197 to %scan3A_199 step %scan3A_200 iter_args(%scan3A_212 = %scan3A) -> (i32)  : i32 {
      %dma_start3A = arith.constant 0 : i32
      %dma_start3A_213 = tpu.memref_slice %arg4[%scan3A_211, %dma_start3A] : memref<80x128xi32, #tpu.memory_space<vmem>> -> memref<1x128xi32, #tpu.memory_space<vmem>>
      %dma_start3A_214 = tpu.memref_squeeze %dma_start3A_213 : memref<1x128xi32, #tpu.memory_space<vmem>> -> memref<128xi32, #tpu.memory_space<vmem>>
      %dma_start3A_215 = arith.constant 0 : i32
      %dma_start3A_216 = tpu.memref_slice %arg7[%dma_start3A_215] : memref<10240xf32, #tpu.memory_space<vmem_shared>> -> memref<10240xf32, #tpu.memory_space<vmem_shared>>
      tpu.enqueue_indirect_dma source(%arg5 : memref<128xf32, #tpu.memory_space<vmem>>) target(%dma_start3A_216 : memref<10240xf32, #tpu.memory_space<vmem_shared>>) offsets(%dma_start3A_214 : memref<128xi32, #tpu.memory_space<vmem>>) semaphore(%arg8 : memref<!tpu.dma_semaphore, #tpu.memory_space<semaphore_mem>>) {add = true}
      %scan3A_217 = arith.constant 0 : i32
      scf.yield %scan3A_217 : i32
    }
    %scan3A_202 = arith.constant 80 : i32
    %dma_wait3A = arith.constant 0 : i32
    %dma_wait3A_203 = arith.constant 0 : i32
    %dma_wait3A_204 = tpu.memref_slice %arg2[%add3A, %dma_wait3A, %dma_wait3A_203] : memref<32x80x128xi32, #tpu.memory_space<hbm>> -> memref<1x80x128xi32, #tpu.memory_space<hbm>>
    %dma_wait3A_205 = tpu.memref_squeeze %dma_wait3A_204 : memref<1x80x128xi32, #tpu.memory_space<hbm>> -> memref<80x128xi32, #tpu.memory_space<hbm>>
    %dma_wait3A_206 = arith.constant 0 : i32
    %dma_wait3A_207 = arith.constant 0 : i32
    %dma_wait3A_208 = tpu.memref_slice %arg2[%add3A, %dma_wait3A_206, %dma_wait3A_207] : memref<32x80x128xi32, #tpu.memory_space<hbm>> -> memref<1x80x128xi32, #tpu.memory_space<hbm>>
    %dma_wait3A_209 = tpu.memref_squeeze %dma_wait3A_208 : memref<1x80x128xi32, #tpu.memory_space<hbm>> -> memref<80x128xi32, #tpu.memory_space<hbm>>
    tpu.wait_dma2 semaphore(%arg8 : memref<!tpu.dma_semaphore, #tpu.memory_space<semaphore_mem>>) src(%dma_wait3A_209 : memref<80x128xi32, #tpu.memory_space<hbm>>) dst(%arg4 : memref<80x128xi32, #tpu.memory_space<vmem>>)
    %barrier3A_210 = arith.constant 0 : index
    tpu.barrier barrier_id(%barrier3A_210)
    "tpu.region"() ({
      %run_scoped3A = tpu.sem_alloc : memref<!tpu.dma_semaphore, #tpu.memory_space<semaphore_mem>>
      %dma_start3A = tpu.memref_slice %arg3[%arg0, %mul3A_196] : memref<2x10240xf32, #tpu.memory_space<hbm>> -> memref<1x640xf32, #tpu.memory_space<hbm>>
      %dma_start3A_211 = tpu.memref_squeeze %dma_start3A : memref<1x640xf32, #tpu.memory_space<hbm>> -> memref<640xf32, #tpu.memory_space<hbm>>
      %dma_start3A_212 = tpu.memref_slice %arg7[%mul3A_196] : memref<10240xf32, #tpu.memory_space<vmem_shared>> -> memref<640xf32, #tpu.memory_space<vmem_shared>>
      tpu.enqueue_dma source(%dma_start3A_212 : memref<640xf32, #tpu.memory_space<vmem_shared>>) target(%dma_start3A_211 : memref<640xf32, #tpu.memory_space<hbm>>) target_semaphore(%run_scoped3A : memref<!tpu.dma_semaphore, #tpu.memory_space<semaphore_mem>>)
      %dma_wait3A_213 = tpu.memref_slice %arg3[%arg0, %mul3A_196] : memref<2x10240xf32, #tpu.memory_space<hbm>> -> memref<1x640xf32, #tpu.memory_space<hbm>>
      %dma_wait3A_214 = tpu.memref_squeeze %dma_wait3A_213 : memref<1x640xf32, #tpu.memory_space<hbm>> -> memref<640xf32, #tpu.memory_space<hbm>>
      %dma_wait3A_215 = tpu.memref_slice %arg7[%mul3A_196] : memref<10240xf32, #tpu.memory_space<vmem_shared>> -> memref<640xf32, #tpu.memory_space<vmem_shared>>
      tpu.wait_dma2 semaphore(%run_scoped3A : memref<!tpu.dma_semaphore, #tpu.memory_space<semaphore_mem>>) src(%dma_wait3A_215 : memref<640xf32, #tpu.memory_space<vmem_shared>>) dst(%dma_wait3A_214 : memref<640xf32, #tpu.memory_space<hbm>>)
      tpu.yield
    }) : () -> ()
    return
  }
}

#map = affine_map<(d0, d1) -> (0, 0, 0)>
#map1 = affine_map<(d0, d1) -> (0, 0)>
module attributes {stable_mosaic.version = 14 : i64} {
  func.func @body(%arg0: i32, %arg1: i32, %arg2: memref<32x80x128xi32, #tpu.memory_space<hbm>>, %arg3: memref<32x80x128xi32, #tpu.memory_space<hbm>>, %arg4: memref<10240x128xf32, #tpu.memory_space<hbm>>, %arg5: memref<2x10240x128xf32, #tpu.memory_space<hbm>>, %arg6: memref<40x128xi32, #tpu.memory_space<vmem>>, %arg7: memref<40x128xi32, #tpu.memory_space<vmem>>, %arg8: memref<128x128xf32, #tpu.memory_space<vmem>>, %arg9: memref<128x128xf32, #tpu.memory_space<vmem>>, %arg10: memref<10240x128xf32, #tpu.memory_space<vmem_shared>>, %arg11: memref<!tpu.dma_semaphore, #tpu.memory_space<semaphore_mem>>, %arg12: memref<!tpu.dma_semaphore, #tpu.memory_space<semaphore_mem>>) attributes {dimension_semantics = [#tpu.dimension_semantics<core_parallel>, #tpu.dimension_semantics<subcore_parallel>], iteration_bounds = array<i64: 2, 16>, scalar_prefetch = 0 : i64, scratch_operands = 7 : i64, tpu.core_type = #tpu.core_type<sc_vector_subcore>, window_params = [{transform_indices = #map}, {transform_indices = #map}, {transform_indices = #map1}, {transform_indices = #map}]} {
    %mul3A = arith.constant 16 : i32
    %mul3A_0 = arith.muli %arg0, %mul3A : i32
    %add3A = arith.addi %mul3A_0, %arg1 : i32
    %mul3A_1 = arith.constant 640 : i32
    %mul3A_2 = arith.muli %arg1, %mul3A_1 : i32
    "tpu.region"() ({
      %run_scoped3A_74 = tpu.sem_alloc : memref<!tpu.dma_semaphore, #tpu.memory_space<semaphore_mem>>
      %dma_start3A_75 = arith.constant 0 : i32
      %dma_start3A_76 = tpu.memref_slice %arg10[%mul3A_2, %dma_start3A_75] : memref<10240x128xf32, #tpu.memory_space<vmem_shared>> -> memref<640x128xf32, #tpu.memory_space<vmem_shared>>
      %dma_start3A_77 = arith.constant 0 : i32
      %dma_start3A_78 = tpu.memref_slice %arg4[%mul3A_2, %dma_start3A_77] : memref<10240x128xf32, #tpu.memory_space<hbm>> -> memref<640x128xf32, #tpu.memory_space<hbm>>
      tpu.enqueue_dma source(%dma_start3A_78 : memref<640x128xf32, #tpu.memory_space<hbm>>) target(%dma_start3A_76 : memref<640x128xf32, #tpu.memory_space<vmem_shared>>) target_semaphore(%run_scoped3A_74 : memref<!tpu.dma_semaphore, #tpu.memory_space<semaphore_mem>>)
      %dma_wait3A_79 = arith.constant 0 : i32
      %dma_wait3A_80 = tpu.memref_slice %arg10[%mul3A_2, %dma_wait3A_79] : memref<10240x128xf32, #tpu.memory_space<vmem_shared>> -> memref<640x128xf32, #tpu.memory_space<vmem_shared>>
      %dma_wait3A_81 = arith.constant 0 : i32
      %dma_wait3A_82 = tpu.memref_slice %arg4[%mul3A_2, %dma_wait3A_81] : memref<10240x128xf32, #tpu.memory_space<hbm>> -> memref<640x128xf32, #tpu.memory_space<hbm>>
      tpu.wait_dma2 semaphore(%run_scoped3A_74 : memref<!tpu.dma_semaphore, #tpu.memory_space<semaphore_mem>>) src(%dma_wait3A_82 : memref<640x128xf32, #tpu.memory_space<hbm>>) dst(%dma_wait3A_80 : memref<640x128xf32, #tpu.memory_space<vmem_shared>>)
      tpu.yield
    }) : () -> ()
    %barrier3A = arith.constant 0 : index
    tpu.barrier barrier_id(%barrier3A)
    "tpu.region"() ({
      %run_scoped3A_74 = tpu.sem_alloc : memref<!tpu.dma_semaphore, #tpu.memory_space<semaphore_mem>>
      %dma_start3A_75 = arith.constant 0 : i32
      %dma_start3A_76 = arith.constant 0 : i32
      %dma_start3A_77 = tpu.memref_slice %arg2[%add3A, %dma_start3A_75, %dma_start3A_76] : memref<32x80x128xi32, #tpu.memory_space<hbm>> -> memref<1x40x128xi32, #tpu.memory_space<hbm>>
      %dma_start3A_78 = tpu.memref_squeeze %dma_start3A_77 : memref<1x40x128xi32, #tpu.memory_space<hbm>> -> memref<40x128xi32, #tpu.memory_space<hbm>>
      %dma_start3A_79 = arith.constant 0 : i32
      %dma_start3A_80 = arith.constant 0 : i32
      %dma_start3A_81 = tpu.memref_slice %arg2[%add3A, %dma_start3A_79, %dma_start3A_80] : memref<32x80x128xi32, #tpu.memory_space<hbm>> -> memref<1x40x128xi32, #tpu.memory_space<hbm>>
      %dma_start3A_82 = tpu.memref_squeeze %dma_start3A_81 : memref<1x40x128xi32, #tpu.memory_space<hbm>> -> memref<40x128xi32, #tpu.memory_space<hbm>>
      tpu.enqueue_dma source(%dma_start3A_82 : memref<40x128xi32, #tpu.memory_space<hbm>>) target(%arg6 : memref<40x128xi32, #tpu.memory_space<vmem>>) target_semaphore(%run_scoped3A_74 : memref<!tpu.dma_semaphore, #tpu.memory_space<semaphore_mem>>)
      %dma_wait3A_83 = arith.constant 0 : i32
      %dma_wait3A_84 = arith.constant 0 : i32
      %dma_wait3A_85 = tpu.memref_slice %arg2[%add3A, %dma_wait3A_83, %dma_wait3A_84] : memref<32x80x128xi32, #tpu.memory_space<hbm>> -> memref<1x40x128xi32, #tpu.memory_space<hbm>>
      %dma_wait3A_86 = tpu.memref_squeeze %dma_wait3A_85 : memref<1x40x128xi32, #tpu.memory_space<hbm>> -> memref<40x128xi32, #tpu.memory_space<hbm>>
      %dma_wait3A_87 = arith.constant 0 : i32
      %dma_wait3A_88 = arith.constant 0 : i32
      %dma_wait3A_89 = tpu.memref_slice %arg2[%add3A, %dma_wait3A_87, %dma_wait3A_88] : memref<32x80x128xi32, #tpu.memory_space<hbm>> -> memref<1x40x128xi32, #tpu.memory_space<hbm>>
      %dma_wait3A_90 = tpu.memref_squeeze %dma_wait3A_89 : memref<1x40x128xi32, #tpu.memory_space<hbm>> -> memref<40x128xi32, #tpu.memory_space<hbm>>
      tpu.wait_dma2 semaphore(%run_scoped3A_74 : memref<!tpu.dma_semaphore, #tpu.memory_space<semaphore_mem>>) src(%dma_wait3A_90 : memref<40x128xi32, #tpu.memory_space<hbm>>) dst(%arg6 : memref<40x128xi32, #tpu.memory_space<vmem>>)
      tpu.yield
    }) : () -> ()
    "tpu.region"() ({
      %run_scoped3A_74 = tpu.sem_alloc : memref<!tpu.dma_semaphore, #tpu.memory_space<semaphore_mem>>
      %dma_start3A_75 = arith.constant 0 : i32
      %dma_start3A_76 = arith.constant 0 : i32
      %dma_start3A_77 = tpu.memref_slice %arg3[%add3A, %dma_start3A_75, %dma_start3A_76] : memref<32x80x128xi32, #tpu.memory_space<hbm>> -> memref<1x40x128xi32, #tpu.memory_space<hbm>>
      %dma_start3A_78 = tpu.memref_squeeze %dma_start3A_77 : memref<1x40x128xi32, #tpu.memory_space<hbm>> -> memref<40x128xi32, #tpu.memory_space<hbm>>
      %dma_start3A_79 = arith.constant 0 : i32
      %dma_start3A_80 = arith.constant 0 : i32
      %dma_start3A_81 = tpu.memref_slice %arg3[%add3A, %dma_start3A_79, %dma_start3A_80] : memref<32x80x128xi32, #tpu.memory_space<hbm>> -> memref<1x40x128xi32, #tpu.memory_space<hbm>>
      %dma_start3A_82 = tpu.memref_squeeze %dma_start3A_81 : memref<1x40x128xi32, #tpu.memory_space<hbm>> -> memref<40x128xi32, #tpu.memory_space<hbm>>
      tpu.enqueue_dma source(%dma_start3A_82 : memref<40x128xi32, #tpu.memory_space<hbm>>) target(%arg7 : memref<40x128xi32, #tpu.memory_space<vmem>>) target_semaphore(%run_scoped3A_74 : memref<!tpu.dma_semaphore, #tpu.memory_space<semaphore_mem>>)
      %dma_wait3A_83 = arith.constant 0 : i32
      %dma_wait3A_84 = arith.constant 0 : i32
      %dma_wait3A_85 = tpu.memref_slice %arg3[%add3A, %dma_wait3A_83, %dma_wait3A_84] : memref<32x80x128xi32, #tpu.memory_space<hbm>> -> memref<1x40x128xi32, #tpu.memory_space<hbm>>
      %dma_wait3A_86 = tpu.memref_squeeze %dma_wait3A_85 : memref<1x40x128xi32, #tpu.memory_space<hbm>> -> memref<40x128xi32, #tpu.memory_space<hbm>>
      %dma_wait3A_87 = arith.constant 0 : i32
      %dma_wait3A_88 = arith.constant 0 : i32
      %dma_wait3A_89 = tpu.memref_slice %arg3[%add3A, %dma_wait3A_87, %dma_wait3A_88] : memref<32x80x128xi32, #tpu.memory_space<hbm>> -> memref<1x40x128xi32, #tpu.memory_space<hbm>>
      %dma_wait3A_90 = tpu.memref_squeeze %dma_wait3A_89 : memref<1x40x128xi32, #tpu.memory_space<hbm>> -> memref<40x128xi32, #tpu.memory_space<hbm>>
      tpu.wait_dma2 semaphore(%run_scoped3A_74 : memref<!tpu.dma_semaphore, #tpu.memory_space<semaphore_mem>>) src(%dma_wait3A_90 : memref<40x128xi32, #tpu.memory_space<hbm>>) dst(%arg7 : memref<40x128xi32, #tpu.memory_space<vmem>>)
      tpu.yield
    }) : () -> ()
    %dma_start3A = arith.constant 0 : i32
    %dma_start3A_3 = arith.constant 0 : i32
    %dma_start3A_4 = tpu.memref_slice %arg6[%dma_start3A, %dma_start3A_3] : memref<40x128xi32, #tpu.memory_space<vmem>> -> memref<1x128xi32, #tpu.memory_space<vmem>>
    %dma_start3A_5 = tpu.memref_squeeze %dma_start3A_4 : memref<1x128xi32, #tpu.memory_space<vmem>> -> memref<128xi32, #tpu.memory_space<vmem>>
    %dma_start3A_6 = arith.constant 0 : i32
    %dma_start3A_7 = arith.constant 0 : i32
    %dma_start3A_8 = tpu.memref_slice %arg4[%dma_start3A_6, %dma_start3A_7] : memref<10240x128xf32, #tpu.memory_space<hbm>> -> memref<10240x128xf32, #tpu.memory_space<hbm>>
    tpu.enqueue_indirect_dma source(%dma_start3A_8 : memref<10240x128xf32, #tpu.memory_space<hbm>>) target(%arg8 : memref<128x128xf32, #tpu.memory_space<vmem>>) offsets(%dma_start3A_5 : memref<128xi32, #tpu.memory_space<vmem>>) semaphore(%arg11 : memref<!tpu.dma_semaphore, #tpu.memory_space<semaphore_mem>>)
    %dma_start3A_9 = arith.constant 1 : i32
    %dma_start3A_10 = arith.constant 0 : i32
    %dma_start3A_11 = tpu.memref_slice %arg6[%dma_start3A_9, %dma_start3A_10] : memref<40x128xi32, #tpu.memory_space<vmem>> -> memref<1x128xi32, #tpu.memory_space<vmem>>
    %dma_start3A_12 = tpu.memref_squeeze %dma_start3A_11 : memref<1x128xi32, #tpu.memory_space<vmem>> -> memref<128xi32, #tpu.memory_space<vmem>>
    %dma_start3A_13 = arith.constant 0 : i32
    %dma_start3A_14 = arith.constant 0 : i32
    %dma_start3A_15 = tpu.memref_slice %arg4[%dma_start3A_13, %dma_start3A_14] : memref<10240x128xf32, #tpu.memory_space<hbm>> -> memref<10240x128xf32, #tpu.memory_space<hbm>>
    tpu.enqueue_indirect_dma source(%dma_start3A_15 : memref<10240x128xf32, #tpu.memory_space<hbm>>) target(%arg9 : memref<128x128xf32, #tpu.memory_space<vmem>>) offsets(%dma_start3A_12 : memref<128xi32, #tpu.memory_space<vmem>>) semaphore(%arg12 : memref<!tpu.dma_semaphore, #tpu.memory_space<semaphore_mem>>)
    %scan3A = arith.constant 0 : i32
    %scan3A_16 = arith.constant 0 : i32
    %scan3A_17 = arith.constant 19 : i32
    %scan3A_18 = arith.addi %scan3A_16, %scan3A_17 : i32
    %scan3A_19 = arith.constant 1 : i32
    %scan3A_20 = scf.for %scan3A_74 = %scan3A_16 to %scan3A_18 step %scan3A_19 iter_args(%scan3A_75 = %scan3A) -> (i32)  : i32 {
      %mul3A_76 = arith.constant 2 : i32
      %mul3A_77 = arith.muli %mul3A_76, %scan3A_74 : i32
      %add3A_78 = arith.constant 0 : i32
      %add3A_79 = arith.addi %mul3A_77, %add3A_78 : i32
      %dma_wait3A_80 = arith.constant 0 : i32
      %dma_wait3A_81 = tpu.memref_slice %arg6[%add3A_79, %dma_wait3A_80] : memref<40x128xi32, #tpu.memory_space<vmem>> -> memref<1x128xi32, #tpu.memory_space<vmem>>
      %dma_wait3A_82 = tpu.memref_squeeze %dma_wait3A_81 : memref<1x128xi32, #tpu.memory_space<vmem>> -> memref<128xi32, #tpu.memory_space<vmem>>
      %dma_wait3A_83 = arith.constant 0 : i32
      %dma_wait3A_84 = arith.constant 0 : i32
      %dma_wait3A_85 = tpu.memref_slice %arg4[%dma_wait3A_83, %dma_wait3A_84] : memref<10240x128xf32, #tpu.memory_space<hbm>> -> memref<10240x128xf32, #tpu.memory_space<hbm>>
      tpu.wait_indirect_dma semaphore(%arg11 : memref<!tpu.dma_semaphore, #tpu.memory_space<semaphore_mem>>) src(%dma_wait3A_85 : memref<10240x128xf32, #tpu.memory_space<hbm>>) dst(%arg8 : memref<128x128xf32, #tpu.memory_space<vmem>>)
      %add3A_86 = arith.constant 0 : i32
      %add3A_87 = arith.addi %mul3A_77, %add3A_86 : i32
      "tpu.region"() ({
        %run_scoped3A_119 = tpu.sem_alloc : memref<!tpu.dma_semaphore, #tpu.memory_space<semaphore_mem>>
        %dma_start3A_120 = arith.constant 0 : i32
        %dma_start3A_121 = tpu.memref_slice %arg7[%add3A_87, %dma_start3A_120] : memref<40x128xi32, #tpu.memory_space<vmem>> -> memref<1x128xi32, #tpu.memory_space<vmem>>
        %dma_start3A_122 = tpu.memref_squeeze %dma_start3A_121 : memref<1x128xi32, #tpu.memory_space<vmem>> -> memref<128xi32, #tpu.memory_space<vmem>>
        %dma_start3A_123 = arith.constant 0 : i32
        %dma_start3A_124 = arith.constant 0 : i32
        %dma_start3A_125 = tpu.memref_slice %arg10[%dma_start3A_123, %dma_start3A_124] : memref<10240x128xf32, #tpu.memory_space<vmem_shared>> -> memref<10240x128xf32, #tpu.memory_space<vmem_shared>>
        tpu.enqueue_indirect_dma source(%arg8 : memref<128x128xf32, #tpu.memory_space<vmem>>) target(%dma_start3A_125 : memref<10240x128xf32, #tpu.memory_space<vmem_shared>>) offsets(%dma_start3A_122 : memref<128xi32, #tpu.memory_space<vmem>>) semaphore(%run_scoped3A_119 : memref<!tpu.dma_semaphore, #tpu.memory_space<semaphore_mem>>) {add = true}
        %dma_wait3A_126 = arith.constant 0 : i32
        %dma_wait3A_127 = tpu.memref_slice %arg7[%add3A_87, %dma_wait3A_126] : memref<40x128xi32, #tpu.memory_space<vmem>> -> memref<1x128xi32, #tpu.memory_space<vmem>>
        %dma_wait3A_128 = tpu.memref_squeeze %dma_wait3A_127 : memref<1x128xi32, #tpu.memory_space<vmem>> -> memref<128xi32, #tpu.memory_space<vmem>>
        %dma_wait3A_129 = arith.constant 0 : i32
        %dma_wait3A_130 = arith.constant 0 : i32
        %dma_wait3A_131 = tpu.memref_slice %arg10[%dma_wait3A_129, %dma_wait3A_130] : memref<10240x128xf32, #tpu.memory_space<vmem_shared>> -> memref<10240x128xf32, #tpu.memory_space<vmem_shared>>
        tpu.wait_indirect_dma semaphore(%run_scoped3A_119 : memref<!tpu.dma_semaphore, #tpu.memory_space<semaphore_mem>>) src(%arg8 : memref<128x128xf32, #tpu.memory_space<vmem>>) dst(%dma_wait3A_131 : memref<10240x128xf32, #tpu.memory_space<vmem_shared>>)
        tpu.yield
      }) : () -> ()
      %add3A_88 = arith.constant 2 : i32
      %add3A_89 = arith.addi %mul3A_77, %add3A_88 : i32
      %add3A_90 = arith.constant 0 : i32
      %add3A_91 = arith.addi %add3A_89, %add3A_90 : i32
      %dma_start3A_92 = arith.constant 0 : i32
      %dma_start3A_93 = tpu.memref_slice %arg6[%add3A_91, %dma_start3A_92] : memref<40x128xi32, #tpu.memory_space<vmem>> -> memref<1x128xi32, #tpu.memory_space<vmem>>
      %dma_start3A_94 = tpu.memref_squeeze %dma_start3A_93 : memref<1x128xi32, #tpu.memory_space<vmem>> -> memref<128xi32, #tpu.memory_space<vmem>>
      %dma_start3A_95 = arith.constant 0 : i32
      %dma_start3A_96 = arith.constant 0 : i32
      %dma_start3A_97 = tpu.memref_slice %arg4[%dma_start3A_95, %dma_start3A_96] : memref<10240x128xf32, #tpu.memory_space<hbm>> -> memref<10240x128xf32, #tpu.memory_space<hbm>>
      tpu.enqueue_indirect_dma source(%dma_start3A_97 : memref<10240x128xf32, #tpu.memory_space<hbm>>) target(%arg8 : memref<128x128xf32, #tpu.memory_space<vmem>>) offsets(%dma_start3A_94 : memref<128xi32, #tpu.memory_space<vmem>>) semaphore(%arg11 : memref<!tpu.dma_semaphore, #tpu.memory_space<semaphore_mem>>)
      %add3A_98 = arith.constant 1 : i32
      %add3A_99 = arith.addi %mul3A_77, %add3A_98 : i32
      %dma_wait3A_100 = arith.constant 0 : i32
      %dma_wait3A_101 = tpu.memref_slice %arg6[%add3A_99, %dma_wait3A_100] : memref<40x128xi32, #tpu.memory_space<vmem>> -> memref<1x128xi32, #tpu.memory_space<vmem>>
      %dma_wait3A_102 = tpu.memref_squeeze %dma_wait3A_101 : memref<1x128xi32, #tpu.memory_space<vmem>> -> memref<128xi32, #tpu.memory_space<vmem>>
      %dma_wait3A_103 = arith.constant 0 : i32
      %dma_wait3A_104 = arith.constant 0 : i32
      %dma_wait3A_105 = tpu.memref_slice %arg4[%dma_wait3A_103, %dma_wait3A_104] : memref<10240x128xf32, #tpu.memory_space<hbm>> -> memref<10240x128xf32, #tpu.memory_space<hbm>>
      tpu.wait_indirect_dma semaphore(%arg12 : memref<!tpu.dma_semaphore, #tpu.memory_space<semaphore_mem>>) src(%dma_wait3A_105 : memref<10240x128xf32, #tpu.memory_space<hbm>>) dst(%arg9 : memref<128x128xf32, #tpu.memory_space<vmem>>)
      %add3A_106 = arith.constant 1 : i32
      %add3A_107 = arith.addi %mul3A_77, %add3A_106 : i32
      "tpu.region"() ({
        %run_scoped3A_119 = tpu.sem_alloc : memref<!tpu.dma_semaphore, #tpu.memory_space<semaphore_mem>>
        %dma_start3A_120 = arith.constant 0 : i32
        %dma_start3A_121 = tpu.memref_slice %arg7[%add3A_107, %dma_start3A_120] : memref<40x128xi32, #tpu.memory_space<vmem>> -> memref<1x128xi32, #tpu.memory_space<vmem>>
        %dma_start3A_122 = tpu.memref_squeeze %dma_start3A_121 : memref<1x128xi32, #tpu.memory_space<vmem>> -> memref<128xi32, #tpu.memory_space<vmem>>
        %dma_start3A_123 = arith.constant 0 : i32
        %dma_start3A_124 = arith.constant 0 : i32
        %dma_start3A_125 = tpu.memref_slice %arg10[%dma_start3A_123, %dma_start3A_124] : memref<10240x128xf32, #tpu.memory_space<vmem_shared>> -> memref<10240x128xf32, #tpu.memory_space<vmem_shared>>
        tpu.enqueue_indirect_dma source(%arg9 : memref<128x128xf32, #tpu.memory_space<vmem>>) target(%dma_start3A_125 : memref<10240x128xf32, #tpu.memory_space<vmem_shared>>) offsets(%dma_start3A_122 : memref<128xi32, #tpu.memory_space<vmem>>) semaphore(%run_scoped3A_119 : memref<!tpu.dma_semaphore, #tpu.memory_space<semaphore_mem>>) {add = true}
        %dma_wait3A_126 = arith.constant 0 : i32
        %dma_wait3A_127 = tpu.memref_slice %arg7[%add3A_107, %dma_wait3A_126] : memref<40x128xi32, #tpu.memory_space<vmem>> -> memref<1x128xi32, #tpu.memory_space<vmem>>
        %dma_wait3A_128 = tpu.memref_squeeze %dma_wait3A_127 : memref<1x128xi32, #tpu.memory_space<vmem>> -> memref<128xi32, #tpu.memory_space<vmem>>
        %dma_wait3A_129 = arith.constant 0 : i32
        %dma_wait3A_130 = arith.constant 0 : i32
        %dma_wait3A_131 = tpu.memref_slice %arg10[%dma_wait3A_129, %dma_wait3A_130] : memref<10240x128xf32, #tpu.memory_space<vmem_shared>> -> memref<10240x128xf32, #tpu.memory_space<vmem_shared>>
        tpu.wait_indirect_dma semaphore(%run_scoped3A_119 : memref<!tpu.dma_semaphore, #tpu.memory_space<semaphore_mem>>) src(%arg9 : memref<128x128xf32, #tpu.memory_space<vmem>>) dst(%dma_wait3A_131 : memref<10240x128xf32, #tpu.memory_space<vmem_shared>>)
        tpu.yield
      }) : () -> ()
      %add3A_108 = arith.constant 2 : i32
      %add3A_109 = arith.addi %mul3A_77, %add3A_108 : i32
      %add3A_110 = arith.constant 1 : i32
      %add3A_111 = arith.addi %add3A_109, %add3A_110 : i32
      %dma_start3A_112 = arith.constant 0 : i32
      %dma_start3A_113 = tpu.memref_slice %arg6[%add3A_111, %dma_start3A_112] : memref<40x128xi32, #tpu.memory_space<vmem>> -> memref<1x128xi32, #tpu.memory_space<vmem>>
      %dma_start3A_114 = tpu.memref_squeeze %dma_start3A_113 : memref<1x128xi32, #tpu.memory_space<vmem>> -> memref<128xi32, #tpu.memory_space<vmem>>
      %dma_start3A_115 = arith.constant 0 : i32
      %dma_start3A_116 = arith.constant 0 : i32
      %dma_start3A_117 = tpu.memref_slice %arg4[%dma_start3A_115, %dma_start3A_116] : memref<10240x128xf32, #tpu.memory_space<hbm>> -> memref<10240x128xf32, #tpu.memory_space<hbm>>
      tpu.enqueue_indirect_dma source(%dma_start3A_117 : memref<10240x128xf32, #tpu.memory_space<hbm>>) target(%arg9 : memref<128x128xf32, #tpu.memory_space<vmem>>) offsets(%dma_start3A_114 : memref<128xi32, #tpu.memory_space<vmem>>) semaphore(%arg12 : memref<!tpu.dma_semaphore, #tpu.memory_space<semaphore_mem>>)
      %scan3A_118 = arith.constant 0 : i32
      scf.yield %scan3A_118 : i32
    }
    %scan3A_21 = arith.constant 19 : i32
    %dma_wait3A = arith.constant 38 : i32
    %dma_wait3A_22 = arith.constant 0 : i32
    %dma_wait3A_23 = tpu.memref_slice %arg6[%dma_wait3A, %dma_wait3A_22] : memref<40x128xi32, #tpu.memory_space<vmem>> -> memref<1x128xi32, #tpu.memory_space<vmem>>
    %dma_wait3A_24 = tpu.memref_squeeze %dma_wait3A_23 : memref<1x128xi32, #tpu.memory_space<vmem>> -> memref<128xi32, #tpu.memory_space<vmem>>
    %dma_wait3A_25 = arith.constant 0 : i32
    %dma_wait3A_26 = arith.constant 0 : i32
    %dma_wait3A_27 = tpu.memref_slice %arg4[%dma_wait3A_25, %dma_wait3A_26] : memref<10240x128xf32, #tpu.memory_space<hbm>> -> memref<10240x128xf32, #tpu.memory_space<hbm>>
    tpu.wait_indirect_dma semaphore(%arg11 : memref<!tpu.dma_semaphore, #tpu.memory_space<semaphore_mem>>) src(%dma_wait3A_27 : memref<10240x128xf32, #tpu.memory_space<hbm>>) dst(%arg8 : memref<128x128xf32, #tpu.memory_space<vmem>>)
    %run_scoped3A = arith.constant 38 : i32
    "tpu.region"() ({
      %run_scoped3A_74 = tpu.sem_alloc : memref<!tpu.dma_semaphore, #tpu.memory_space<semaphore_mem>>
      %dma_start3A_75 = arith.constant 0 : i32
      %dma_start3A_76 = tpu.memref_slice %arg7[%run_scoped3A, %dma_start3A_75] : memref<40x128xi32, #tpu.memory_space<vmem>> -> memref<1x128xi32, #tpu.memory_space<vmem>>
      %dma_start3A_77 = tpu.memref_squeeze %dma_start3A_76 : memref<1x128xi32, #tpu.memory_space<vmem>> -> memref<128xi32, #tpu.memory_space<vmem>>
      %dma_start3A_78 = arith.constant 0 : i32
      %dma_start3A_79 = arith.constant 0 : i32
      %dma_start3A_80 = tpu.memref_slice %arg10[%dma_start3A_78, %dma_start3A_79] : memref<10240x128xf32, #tpu.memory_space<vmem_shared>> -> memref<10240x128xf32, #tpu.memory_space<vmem_shared>>
      tpu.enqueue_indirect_dma source(%arg8 : memref<128x128xf32, #tpu.memory_space<vmem>>) target(%dma_start3A_80 : memref<10240x128xf32, #tpu.memory_space<vmem_shared>>) offsets(%dma_start3A_77 : memref<128xi32, #tpu.memory_space<vmem>>) semaphore(%run_scoped3A_74 : memref<!tpu.dma_semaphore, #tpu.memory_space<semaphore_mem>>) {add = true}
      %dma_wait3A_81 = arith.constant 0 : i32
      %dma_wait3A_82 = tpu.memref_slice %arg7[%run_scoped3A, %dma_wait3A_81] : memref<40x128xi32, #tpu.memory_space<vmem>> -> memref<1x128xi32, #tpu.memory_space<vmem>>
      %dma_wait3A_83 = tpu.memref_squeeze %dma_wait3A_82 : memref<1x128xi32, #tpu.memory_space<vmem>> -> memref<128xi32, #tpu.memory_space<vmem>>
      %dma_wait3A_84 = arith.constant 0 : i32
      %dma_wait3A_85 = arith.constant 0 : i32
      %dma_wait3A_86 = tpu.memref_slice %arg10[%dma_wait3A_84, %dma_wait3A_85] : memref<10240x128xf32, #tpu.memory_space<vmem_shared>> -> memref<10240x128xf32, #tpu.memory_space<vmem_shared>>
      tpu.wait_indirect_dma semaphore(%run_scoped3A_74 : memref<!tpu.dma_semaphore, #tpu.memory_space<semaphore_mem>>) src(%arg8 : memref<128x128xf32, #tpu.memory_space<vmem>>) dst(%dma_wait3A_86 : memref<10240x128xf32, #tpu.memory_space<vmem_shared>>)
      tpu.yield
    }) : () -> ()
    %dma_wait3A_28 = arith.constant 39 : i32
    %dma_wait3A_29 = arith.constant 0 : i32
    %dma_wait3A_30 = tpu.memref_slice %arg6[%dma_wait3A_28, %dma_wait3A_29] : memref<40x128xi32, #tpu.memory_space<vmem>> -> memref<1x128xi32, #tpu.memory_space<vmem>>
    %dma_wait3A_31 = tpu.memref_squeeze %dma_wait3A_30 : memref<1x128xi32, #tpu.memory_space<vmem>> -> memref<128xi32, #tpu.memory_space<vmem>>
    %dma_wait3A_32 = arith.constant 0 : i32
    %dma_wait3A_33 = arith.constant 0 : i32
    %dma_wait3A_34 = tpu.memref_slice %arg4[%dma_wait3A_32, %dma_wait3A_33] : memref<10240x128xf32, #tpu.memory_space<hbm>> -> memref<10240x128xf32, #tpu.memory_space<hbm>>
    tpu.wait_indirect_dma semaphore(%arg12 : memref<!tpu.dma_semaphore, #tpu.memory_space<semaphore_mem>>) src(%dma_wait3A_34 : memref<10240x128xf32, #tpu.memory_space<hbm>>) dst(%arg9 : memref<128x128xf32, #tpu.memory_space<vmem>>)
    %run_scoped3A_35 = arith.constant 39 : i32
    "tpu.region"() ({
      %run_scoped3A_74 = tpu.sem_alloc : memref<!tpu.dma_semaphore, #tpu.memory_space<semaphore_mem>>
      %dma_start3A_75 = arith.constant 0 : i32
      %dma_start3A_76 = tpu.memref_slice %arg7[%run_scoped3A_35, %dma_start3A_75] : memref<40x128xi32, #tpu.memory_space<vmem>> -> memref<1x128xi32, #tpu.memory_space<vmem>>
      %dma_start3A_77 = tpu.memref_squeeze %dma_start3A_76 : memref<1x128xi32, #tpu.memory_space<vmem>> -> memref<128xi32, #tpu.memory_space<vmem>>
      %dma_start3A_78 = arith.constant 0 : i32
      %dma_start3A_79 = arith.constant 0 : i32
      %dma_start3A_80 = tpu.memref_slice %arg10[%dma_start3A_78, %dma_start3A_79] : memref<10240x128xf32, #tpu.memory_space<vmem_shared>> -> memref<10240x128xf32, #tpu.memory_space<vmem_shared>>
      tpu.enqueue_indirect_dma source(%arg9 : memref<128x128xf32, #tpu.memory_space<vmem>>) target(%dma_start3A_80 : memref<10240x128xf32, #tpu.memory_space<vmem_shared>>) offsets(%dma_start3A_77 : memref<128xi32, #tpu.memory_space<vmem>>) semaphore(%run_scoped3A_74 : memref<!tpu.dma_semaphore, #tpu.memory_space<semaphore_mem>>) {add = true}
      %dma_wait3A_81 = arith.constant 0 : i32
      %dma_wait3A_82 = tpu.memref_slice %arg7[%run_scoped3A_35, %dma_wait3A_81] : memref<40x128xi32, #tpu.memory_space<vmem>> -> memref<1x128xi32, #tpu.memory_space<vmem>>
      %dma_wait3A_83 = tpu.memref_squeeze %dma_wait3A_82 : memref<1x128xi32, #tpu.memory_space<vmem>> -> memref<128xi32, #tpu.memory_space<vmem>>
      %dma_wait3A_84 = arith.constant 0 : i32
      %dma_wait3A_85 = arith.constant 0 : i32
      %dma_wait3A_86 = tpu.memref_slice %arg10[%dma_wait3A_84, %dma_wait3A_85] : memref<10240x128xf32, #tpu.memory_space<vmem_shared>> -> memref<10240x128xf32, #tpu.memory_space<vmem_shared>>
      tpu.wait_indirect_dma semaphore(%run_scoped3A_74 : memref<!tpu.dma_semaphore, #tpu.memory_space<semaphore_mem>>) src(%arg9 : memref<128x128xf32, #tpu.memory_space<vmem>>) dst(%dma_wait3A_86 : memref<10240x128xf32, #tpu.memory_space<vmem_shared>>)
      tpu.yield
    }) : () -> ()
    "tpu.region"() ({
      %run_scoped3A_74 = tpu.sem_alloc : memref<!tpu.dma_semaphore, #tpu.memory_space<semaphore_mem>>
      %dma_start3A_75 = arith.constant 40 : i32
      %dma_start3A_76 = arith.constant 0 : i32
      %dma_start3A_77 = tpu.memref_slice %arg2[%add3A, %dma_start3A_75, %dma_start3A_76] : memref<32x80x128xi32, #tpu.memory_space<hbm>> -> memref<1x40x128xi32, #tpu.memory_space<hbm>>
      %dma_start3A_78 = tpu.memref_squeeze %dma_start3A_77 : memref<1x40x128xi32, #tpu.memory_space<hbm>> -> memref<40x128xi32, #tpu.memory_space<hbm>>
      %dma_start3A_79 = arith.constant 40 : i32
      %dma_start3A_80 = arith.constant 0 : i32
      %dma_start3A_81 = tpu.memref_slice %arg2[%add3A, %dma_start3A_79, %dma_start3A_80] : memref<32x80x128xi32, #tpu.memory_space<hbm>> -> memref<1x40x128xi32, #tpu.memory_space<hbm>>
      %dma_start3A_82 = tpu.memref_squeeze %dma_start3A_81 : memref<1x40x128xi32, #tpu.memory_space<hbm>> -> memref<40x128xi32, #tpu.memory_space<hbm>>
      tpu.enqueue_dma source(%dma_start3A_82 : memref<40x128xi32, #tpu.memory_space<hbm>>) target(%arg6 : memref<40x128xi32, #tpu.memory_space<vmem>>) target_semaphore(%run_scoped3A_74 : memref<!tpu.dma_semaphore, #tpu.memory_space<semaphore_mem>>)
      %dma_wait3A_83 = arith.constant 40 : i32
      %dma_wait3A_84 = arith.constant 0 : i32
      %dma_wait3A_85 = tpu.memref_slice %arg2[%add3A, %dma_wait3A_83, %dma_wait3A_84] : memref<32x80x128xi32, #tpu.memory_space<hbm>> -> memref<1x40x128xi32, #tpu.memory_space<hbm>>
      %dma_wait3A_86 = tpu.memref_squeeze %dma_wait3A_85 : memref<1x40x128xi32, #tpu.memory_space<hbm>> -> memref<40x128xi32, #tpu.memory_space<hbm>>
      %dma_wait3A_87 = arith.constant 40 : i32
      %dma_wait3A_88 = arith.constant 0 : i32
      %dma_wait3A_89 = tpu.memref_slice %arg2[%add3A, %dma_wait3A_87, %dma_wait3A_88] : memref<32x80x128xi32, #tpu.memory_space<hbm>> -> memref<1x40x128xi32, #tpu.memory_space<hbm>>
      %dma_wait3A_90 = tpu.memref_squeeze %dma_wait3A_89 : memref<1x40x128xi32, #tpu.memory_space<hbm>> -> memref<40x128xi32, #tpu.memory_space<hbm>>
      tpu.wait_dma2 semaphore(%run_scoped3A_74 : memref<!tpu.dma_semaphore, #tpu.memory_space<semaphore_mem>>) src(%dma_wait3A_90 : memref<40x128xi32, #tpu.memory_space<hbm>>) dst(%arg6 : memref<40x128xi32, #tpu.memory_space<vmem>>)
      tpu.yield
    }) : () -> ()
    "tpu.region"() ({
      %run_scoped3A_74 = tpu.sem_alloc : memref<!tpu.dma_semaphore, #tpu.memory_space<semaphore_mem>>
      %dma_start3A_75 = arith.constant 40 : i32
      %dma_start3A_76 = arith.constant 0 : i32
      %dma_start3A_77 = tpu.memref_slice %arg3[%add3A, %dma_start3A_75, %dma_start3A_76] : memref<32x80x128xi32, #tpu.memory_space<hbm>> -> memref<1x40x128xi32, #tpu.memory_space<hbm>>
      %dma_start3A_78 = tpu.memref_squeeze %dma_start3A_77 : memref<1x40x128xi32, #tpu.memory_space<hbm>> -> memref<40x128xi32, #tpu.memory_space<hbm>>
      %dma_start3A_79 = arith.constant 40 : i32
      %dma_start3A_80 = arith.constant 0 : i32
      %dma_start3A_81 = tpu.memref_slice %arg3[%add3A, %dma_start3A_79, %dma_start3A_80] : memref<32x80x128xi32, #tpu.memory_space<hbm>> -> memref<1x40x128xi32, #tpu.memory_space<hbm>>
      %dma_start3A_82 = tpu.memref_squeeze %dma_start3A_81 : memref<1x40x128xi32, #tpu.memory_space<hbm>> -> memref<40x128xi32, #tpu.memory_space<hbm>>
      tpu.enqueue_dma source(%dma_start3A_82 : memref<40x128xi32, #tpu.memory_space<hbm>>) target(%arg7 : memref<40x128xi32, #tpu.memory_space<vmem>>) target_semaphore(%run_scoped3A_74 : memref<!tpu.dma_semaphore, #tpu.memory_space<semaphore_mem>>)
      %dma_wait3A_83 = arith.constant 40 : i32
      %dma_wait3A_84 = arith.constant 0 : i32
      %dma_wait3A_85 = tpu.memref_slice %arg3[%add3A, %dma_wait3A_83, %dma_wait3A_84] : memref<32x80x128xi32, #tpu.memory_space<hbm>> -> memref<1x40x128xi32, #tpu.memory_space<hbm>>
      %dma_wait3A_86 = tpu.memref_squeeze %dma_wait3A_85 : memref<1x40x128xi32, #tpu.memory_space<hbm>> -> memref<40x128xi32, #tpu.memory_space<hbm>>
      %dma_wait3A_87 = arith.constant 40 : i32
      %dma_wait3A_88 = arith.constant 0 : i32
      %dma_wait3A_89 = tpu.memref_slice %arg3[%add3A, %dma_wait3A_87, %dma_wait3A_88] : memref<32x80x128xi32, #tpu.memory_space<hbm>> -> memref<1x40x128xi32, #tpu.memory_space<hbm>>
      %dma_wait3A_90 = tpu.memref_squeeze %dma_wait3A_89 : memref<1x40x128xi32, #tpu.memory_space<hbm>> -> memref<40x128xi32, #tpu.memory_space<hbm>>
      tpu.wait_dma2 semaphore(%run_scoped3A_74 : memref<!tpu.dma_semaphore, #tpu.memory_space<semaphore_mem>>) src(%dma_wait3A_90 : memref<40x128xi32, #tpu.memory_space<hbm>>) dst(%arg7 : memref<40x128xi32, #tpu.memory_space<vmem>>)
      tpu.yield
    }) : () -> ()
    %dma_start3A_36 = arith.constant 0 : i32
    %dma_start3A_37 = arith.constant 0 : i32
    %dma_start3A_38 = tpu.memref_slice %arg6[%dma_start3A_36, %dma_start3A_37] : memref<40x128xi32, #tpu.memory_space<vmem>> -> memref<1x128xi32, #tpu.memory_space<vmem>>
    %dma_start3A_39 = tpu.memref_squeeze %dma_start3A_38 : memref<1x128xi32, #tpu.memory_space<vmem>> -> memref<128xi32, #tpu.memory_space<vmem>>
    %dma_start3A_40 = arith.constant 0 : i32
    %dma_start3A_41 = arith.constant 0 : i32
    %dma_start3A_42 = tpu.memref_slice %arg4[%dma_start3A_40, %dma_start3A_41] : memref<10240x128xf32, #tpu.memory_space<hbm>> -> memref<10240x128xf32, #tpu.memory_space<hbm>>
    tpu.enqueue_indirect_dma source(%dma_start3A_42 : memref<10240x128xf32, #tpu.memory_space<hbm>>) target(%arg8 : memref<128x128xf32, #tpu.memory_space<vmem>>) offsets(%dma_start3A_39 : memref<128xi32, #tpu.memory_space<vmem>>) semaphore(%arg11 : memref<!tpu.dma_semaphore, #tpu.memory_space<semaphore_mem>>)
    %dma_start3A_43 = arith.constant 1 : i32
    %dma_start3A_44 = arith.constant 0 : i32
    %dma_start3A_45 = tpu.memref_slice %arg6[%dma_start3A_43, %dma_start3A_44] : memref<40x128xi32, #tpu.memory_space<vmem>> -> memref<1x128xi32, #tpu.memory_space<vmem>>
    %dma_start3A_46 = tpu.memref_squeeze %dma_start3A_45 : memref<1x128xi32, #tpu.memory_space<vmem>> -> memref<128xi32, #tpu.memory_space<vmem>>
    %dma_start3A_47 = arith.constant 0 : i32
    %dma_start3A_48 = arith.constant 0 : i32
    %dma_start3A_49 = tpu.memref_slice %arg4[%dma_start3A_47, %dma_start3A_48] : memref<10240x128xf32, #tpu.memory_space<hbm>> -> memref<10240x128xf32, #tpu.memory_space<hbm>>
    tpu.enqueue_indirect_dma source(%dma_start3A_49 : memref<10240x128xf32, #tpu.memory_space<hbm>>) target(%arg9 : memref<128x128xf32, #tpu.memory_space<vmem>>) offsets(%dma_start3A_46 : memref<128xi32, #tpu.memory_space<vmem>>) semaphore(%arg12 : memref<!tpu.dma_semaphore, #tpu.memory_space<semaphore_mem>>)
    %scan3A_50 = arith.constant 0 : i32
    %scan3A_51 = arith.constant 0 : i32
    %scan3A_52 = arith.constant 19 : i32
    %scan3A_53 = arith.addi %scan3A_51, %scan3A_52 : i32
    %scan3A_54 = arith.constant 1 : i32
    %scan3A_55 = scf.for %scan3A_74 = %scan3A_51 to %scan3A_53 step %scan3A_54 iter_args(%scan3A_75 = %scan3A_50) -> (i32)  : i32 {
      %mul3A_76 = arith.constant 2 : i32
      %mul3A_77 = arith.muli %mul3A_76, %scan3A_74 : i32
      %add3A_78 = arith.constant 0 : i32
      %add3A_79 = arith.addi %mul3A_77, %add3A_78 : i32
      %dma_wait3A_80 = arith.constant 0 : i32
      %dma_wait3A_81 = tpu.memref_slice %arg6[%add3A_79, %dma_wait3A_80] : memref<40x128xi32, #tpu.memory_space<vmem>> -> memref<1x128xi32, #tpu.memory_space<vmem>>
      %dma_wait3A_82 = tpu.memref_squeeze %dma_wait3A_81 : memref<1x128xi32, #tpu.memory_space<vmem>> -> memref<128xi32, #tpu.memory_space<vmem>>
      %dma_wait3A_83 = arith.constant 0 : i32
      %dma_wait3A_84 = arith.constant 0 : i32
      %dma_wait3A_85 = tpu.memref_slice %arg4[%dma_wait3A_83, %dma_wait3A_84] : memref<10240x128xf32, #tpu.memory_space<hbm>> -> memref<10240x128xf32, #tpu.memory_space<hbm>>
      tpu.wait_indirect_dma semaphore(%arg11 : memref<!tpu.dma_semaphore, #tpu.memory_space<semaphore_mem>>) src(%dma_wait3A_85 : memref<10240x128xf32, #tpu.memory_space<hbm>>) dst(%arg8 : memref<128x128xf32, #tpu.memory_space<vmem>>)
      %add3A_86 = arith.constant 0 : i32
      %add3A_87 = arith.addi %mul3A_77, %add3A_86 : i32
      "tpu.region"() ({
        %run_scoped3A_119 = tpu.sem_alloc : memref<!tpu.dma_semaphore, #tpu.memory_space<semaphore_mem>>
        %dma_start3A_120 = arith.constant 0 : i32
        %dma_start3A_121 = tpu.memref_slice %arg7[%add3A_87, %dma_start3A_120] : memref<40x128xi32, #tpu.memory_space<vmem>> -> memref<1x128xi32, #tpu.memory_space<vmem>>
        %dma_start3A_122 = tpu.memref_squeeze %dma_start3A_121 : memref<1x128xi32, #tpu.memory_space<vmem>> -> memref<128xi32, #tpu.memory_space<vmem>>
        %dma_start3A_123 = arith.constant 0 : i32
        %dma_start3A_124 = arith.constant 0 : i32
        %dma_start3A_125 = tpu.memref_slice %arg10[%dma_start3A_123, %dma_start3A_124] : memref<10240x128xf32, #tpu.memory_space<vmem_shared>> -> memref<10240x128xf32, #tpu.memory_space<vmem_shared>>
        tpu.enqueue_indirect_dma source(%arg8 : memref<128x128xf32, #tpu.memory_space<vmem>>) target(%dma_start3A_125 : memref<10240x128xf32, #tpu.memory_space<vmem_shared>>) offsets(%dma_start3A_122 : memref<128xi32, #tpu.memory_space<vmem>>) semaphore(%run_scoped3A_119 : memref<!tpu.dma_semaphore, #tpu.memory_space<semaphore_mem>>) {add = true}
        %dma_wait3A_126 = arith.constant 0 : i32
        %dma_wait3A_127 = tpu.memref_slice %arg7[%add3A_87, %dma_wait3A_126] : memref<40x128xi32, #tpu.memory_space<vmem>> -> memref<1x128xi32, #tpu.memory_space<vmem>>
        %dma_wait3A_128 = tpu.memref_squeeze %dma_wait3A_127 : memref<1x128xi32, #tpu.memory_space<vmem>> -> memref<128xi32, #tpu.memory_space<vmem>>
        %dma_wait3A_129 = arith.constant 0 : i32
        %dma_wait3A_130 = arith.constant 0 : i32
        %dma_wait3A_131 = tpu.memref_slice %arg10[%dma_wait3A_129, %dma_wait3A_130] : memref<10240x128xf32, #tpu.memory_space<vmem_shared>> -> memref<10240x128xf32, #tpu.memory_space<vmem_shared>>
        tpu.wait_indirect_dma semaphore(%run_scoped3A_119 : memref<!tpu.dma_semaphore, #tpu.memory_space<semaphore_mem>>) src(%arg8 : memref<128x128xf32, #tpu.memory_space<vmem>>) dst(%dma_wait3A_131 : memref<10240x128xf32, #tpu.memory_space<vmem_shared>>)
        tpu.yield
      }) : () -> ()
      %add3A_88 = arith.constant 2 : i32
      %add3A_89 = arith.addi %mul3A_77, %add3A_88 : i32
      %add3A_90 = arith.constant 0 : i32
      %add3A_91 = arith.addi %add3A_89, %add3A_90 : i32
      %dma_start3A_92 = arith.constant 0 : i32
      %dma_start3A_93 = tpu.memref_slice %arg6[%add3A_91, %dma_start3A_92] : memref<40x128xi32, #tpu.memory_space<vmem>> -> memref<1x128xi32, #tpu.memory_space<vmem>>
      %dma_start3A_94 = tpu.memref_squeeze %dma_start3A_93 : memref<1x128xi32, #tpu.memory_space<vmem>> -> memref<128xi32, #tpu.memory_space<vmem>>
      %dma_start3A_95 = arith.constant 0 : i32
      %dma_start3A_96 = arith.constant 0 : i32
      %dma_start3A_97 = tpu.memref_slice %arg4[%dma_start3A_95, %dma_start3A_96] : memref<10240x128xf32, #tpu.memory_space<hbm>> -> memref<10240x128xf32, #tpu.memory_space<hbm>>
      tpu.enqueue_indirect_dma source(%dma_start3A_97 : memref<10240x128xf32, #tpu.memory_space<hbm>>) target(%arg8 : memref<128x128xf32, #tpu.memory_space<vmem>>) offsets(%dma_start3A_94 : memref<128xi32, #tpu.memory_space<vmem>>) semaphore(%arg11 : memref<!tpu.dma_semaphore, #tpu.memory_space<semaphore_mem>>)
      %add3A_98 = arith.constant 1 : i32
      %add3A_99 = arith.addi %mul3A_77, %add3A_98 : i32
      %dma_wait3A_100 = arith.constant 0 : i32
      %dma_wait3A_101 = tpu.memref_slice %arg6[%add3A_99, %dma_wait3A_100] : memref<40x128xi32, #tpu.memory_space<vmem>> -> memref<1x128xi32, #tpu.memory_space<vmem>>
      %dma_wait3A_102 = tpu.memref_squeeze %dma_wait3A_101 : memref<1x128xi32, #tpu.memory_space<vmem>> -> memref<128xi32, #tpu.memory_space<vmem>>
      %dma_wait3A_103 = arith.constant 0 : i32
      %dma_wait3A_104 = arith.constant 0 : i32
      %dma_wait3A_105 = tpu.memref_slice %arg4[%dma_wait3A_103, %dma_wait3A_104] : memref<10240x128xf32, #tpu.memory_space<hbm>> -> memref<10240x128xf32, #tpu.memory_space<hbm>>
      tpu.wait_indirect_dma semaphore(%arg12 : memref<!tpu.dma_semaphore, #tpu.memory_space<semaphore_mem>>) src(%dma_wait3A_105 : memref<10240x128xf32, #tpu.memory_space<hbm>>) dst(%arg9 : memref<128x128xf32, #tpu.memory_space<vmem>>)
      %add3A_106 = arith.constant 1 : i32
      %add3A_107 = arith.addi %mul3A_77, %add3A_106 : i32
      "tpu.region"() ({
        %run_scoped3A_119 = tpu.sem_alloc : memref<!tpu.dma_semaphore, #tpu.memory_space<semaphore_mem>>
        %dma_start3A_120 = arith.constant 0 : i32
        %dma_start3A_121 = tpu.memref_slice %arg7[%add3A_107, %dma_start3A_120] : memref<40x128xi32, #tpu.memory_space<vmem>> -> memref<1x128xi32, #tpu.memory_space<vmem>>
        %dma_start3A_122 = tpu.memref_squeeze %dma_start3A_121 : memref<1x128xi32, #tpu.memory_space<vmem>> -> memref<128xi32, #tpu.memory_space<vmem>>
        %dma_start3A_123 = arith.constant 0 : i32
        %dma_start3A_124 = arith.constant 0 : i32
        %dma_start3A_125 = tpu.memref_slice %arg10[%dma_start3A_123, %dma_start3A_124] : memref<10240x128xf32, #tpu.memory_space<vmem_shared>> -> memref<10240x128xf32, #tpu.memory_space<vmem_shared>>
        tpu.enqueue_indirect_dma source(%arg9 : memref<128x128xf32, #tpu.memory_space<vmem>>) target(%dma_start3A_125 : memref<10240x128xf32, #tpu.memory_space<vmem_shared>>) offsets(%dma_start3A_122 : memref<128xi32, #tpu.memory_space<vmem>>) semaphore(%run_scoped3A_119 : memref<!tpu.dma_semaphore, #tpu.memory_space<semaphore_mem>>) {add = true}
        %dma_wait3A_126 = arith.constant 0 : i32
        %dma_wait3A_127 = tpu.memref_slice %arg7[%add3A_107, %dma_wait3A_126] : memref<40x128xi32, #tpu.memory_space<vmem>> -> memref<1x128xi32, #tpu.memory_space<vmem>>
        %dma_wait3A_128 = tpu.memref_squeeze %dma_wait3A_127 : memref<1x128xi32, #tpu.memory_space<vmem>> -> memref<128xi32, #tpu.memory_space<vmem>>
        %dma_wait3A_129 = arith.constant 0 : i32
        %dma_wait3A_130 = arith.constant 0 : i32
        %dma_wait3A_131 = tpu.memref_slice %arg10[%dma_wait3A_129, %dma_wait3A_130] : memref<10240x128xf32, #tpu.memory_space<vmem_shared>> -> memref<10240x128xf32, #tpu.memory_space<vmem_shared>>
        tpu.wait_indirect_dma semaphore(%run_scoped3A_119 : memref<!tpu.dma_semaphore, #tpu.memory_space<semaphore_mem>>) src(%arg9 : memref<128x128xf32, #tpu.memory_space<vmem>>) dst(%dma_wait3A_131 : memref<10240x128xf32, #tpu.memory_space<vmem_shared>>)
        tpu.yield
      }) : () -> ()
      %add3A_108 = arith.constant 2 : i32
      %add3A_109 = arith.addi %mul3A_77, %add3A_108 : i32
      %add3A_110 = arith.constant 1 : i32
      %add3A_111 = arith.addi %add3A_109, %add3A_110 : i32
      %dma_start3A_112 = arith.constant 0 : i32
      %dma_start3A_113 = tpu.memref_slice %arg6[%add3A_111, %dma_start3A_112] : memref<40x128xi32, #tpu.memory_space<vmem>> -> memref<1x128xi32, #tpu.memory_space<vmem>>
      %dma_start3A_114 = tpu.memref_squeeze %dma_start3A_113 : memref<1x128xi32, #tpu.memory_space<vmem>> -> memref<128xi32, #tpu.memory_space<vmem>>
      %dma_start3A_115 = arith.constant 0 : i32
      %dma_start3A_116 = arith.constant 0 : i32
      %dma_start3A_117 = tpu.memref_slice %arg4[%dma_start3A_115, %dma_start3A_116] : memref<10240x128xf32, #tpu.memory_space<hbm>> -> memref<10240x128xf32, #tpu.memory_space<hbm>>
      tpu.enqueue_indirect_dma source(%dma_start3A_117 : memref<10240x128xf32, #tpu.memory_space<hbm>>) target(%arg9 : memref<128x128xf32, #tpu.memory_space<vmem>>) offsets(%dma_start3A_114 : memref<128xi32, #tpu.memory_space<vmem>>) semaphore(%arg12 : memref<!tpu.dma_semaphore, #tpu.memory_space<semaphore_mem>>)
      %scan3A_118 = arith.constant 0 : i32
      scf.yield %scan3A_118 : i32
    }
    %scan3A_56 = arith.constant 19 : i32
    %dma_wait3A_57 = arith.constant 38 : i32
    %dma_wait3A_58 = arith.constant 0 : i32
    %dma_wait3A_59 = tpu.memref_slice %arg6[%dma_wait3A_57, %dma_wait3A_58] : memref<40x128xi32, #tpu.memory_space<vmem>> -> memref<1x128xi32, #tpu.memory_space<vmem>>
    %dma_wait3A_60 = tpu.memref_squeeze %dma_wait3A_59 : memref<1x128xi32, #tpu.memory_space<vmem>> -> memref<128xi32, #tpu.memory_space<vmem>>
    %dma_wait3A_61 = arith.constant 0 : i32
    %dma_wait3A_62 = arith.constant 0 : i32
    %dma_wait3A_63 = tpu.memref_slice %arg4[%dma_wait3A_61, %dma_wait3A_62] : memref<10240x128xf32, #tpu.memory_space<hbm>> -> memref<10240x128xf32, #tpu.memory_space<hbm>>
    tpu.wait_indirect_dma semaphore(%arg11 : memref<!tpu.dma_semaphore, #tpu.memory_space<semaphore_mem>>) src(%dma_wait3A_63 : memref<10240x128xf32, #tpu.memory_space<hbm>>) dst(%arg8 : memref<128x128xf32, #tpu.memory_space<vmem>>)
    %run_scoped3A_64 = arith.constant 38 : i32
    "tpu.region"() ({
      %run_scoped3A_74 = tpu.sem_alloc : memref<!tpu.dma_semaphore, #tpu.memory_space<semaphore_mem>>
      %dma_start3A_75 = arith.constant 0 : i32
      %dma_start3A_76 = tpu.memref_slice %arg7[%run_scoped3A_64, %dma_start3A_75] : memref<40x128xi32, #tpu.memory_space<vmem>> -> memref<1x128xi32, #tpu.memory_space<vmem>>
      %dma_start3A_77 = tpu.memref_squeeze %dma_start3A_76 : memref<1x128xi32, #tpu.memory_space<vmem>> -> memref<128xi32, #tpu.memory_space<vmem>>
      %dma_start3A_78 = arith.constant 0 : i32
      %dma_start3A_79 = arith.constant 0 : i32
      %dma_start3A_80 = tpu.memref_slice %arg10[%dma_start3A_78, %dma_start3A_79] : memref<10240x128xf32, #tpu.memory_space<vmem_shared>> -> memref<10240x128xf32, #tpu.memory_space<vmem_shared>>
      tpu.enqueue_indirect_dma source(%arg8 : memref<128x128xf32, #tpu.memory_space<vmem>>) target(%dma_start3A_80 : memref<10240x128xf32, #tpu.memory_space<vmem_shared>>) offsets(%dma_start3A_77 : memref<128xi32, #tpu.memory_space<vmem>>) semaphore(%run_scoped3A_74 : memref<!tpu.dma_semaphore, #tpu.memory_space<semaphore_mem>>) {add = true}
      %dma_wait3A_81 = arith.constant 0 : i32
      %dma_wait3A_82 = tpu.memref_slice %arg7[%run_scoped3A_64, %dma_wait3A_81] : memref<40x128xi32, #tpu.memory_space<vmem>> -> memref<1x128xi32, #tpu.memory_space<vmem>>
      %dma_wait3A_83 = tpu.memref_squeeze %dma_wait3A_82 : memref<1x128xi32, #tpu.memory_space<vmem>> -> memref<128xi32, #tpu.memory_space<vmem>>
      %dma_wait3A_84 = arith.constant 0 : i32
      %dma_wait3A_85 = arith.constant 0 : i32
      %dma_wait3A_86 = tpu.memref_slice %arg10[%dma_wait3A_84, %dma_wait3A_85] : memref<10240x128xf32, #tpu.memory_space<vmem_shared>> -> memref<10240x128xf32, #tpu.memory_space<vmem_shared>>
      tpu.wait_indirect_dma semaphore(%run_scoped3A_74 : memref<!tpu.dma_semaphore, #tpu.memory_space<semaphore_mem>>) src(%arg8 : memref<128x128xf32, #tpu.memory_space<vmem>>) dst(%dma_wait3A_86 : memref<10240x128xf32, #tpu.memory_space<vmem_shared>>)
      tpu.yield
    }) : () -> ()
    %dma_wait3A_65 = arith.constant 39 : i32
    %dma_wait3A_66 = arith.constant 0 : i32
    %dma_wait3A_67 = tpu.memref_slice %arg6[%dma_wait3A_65, %dma_wait3A_66] : memref<40x128xi32, #tpu.memory_space<vmem>> -> memref<1x128xi32, #tpu.memory_space<vmem>>
    %dma_wait3A_68 = tpu.memref_squeeze %dma_wait3A_67 : memref<1x128xi32, #tpu.memory_space<vmem>> -> memref<128xi32, #tpu.memory_space<vmem>>
    %dma_wait3A_69 = arith.constant 0 : i32
    %dma_wait3A_70 = arith.constant 0 : i32
    %dma_wait3A_71 = tpu.memref_slice %arg4[%dma_wait3A_69, %dma_wait3A_70] : memref<10240x128xf32, #tpu.memory_space<hbm>> -> memref<10240x128xf32, #tpu.memory_space<hbm>>
    tpu.wait_indirect_dma semaphore(%arg12 : memref<!tpu.dma_semaphore, #tpu.memory_space<semaphore_mem>>) src(%dma_wait3A_71 : memref<10240x128xf32, #tpu.memory_space<hbm>>) dst(%arg9 : memref<128x128xf32, #tpu.memory_space<vmem>>)
    %run_scoped3A_72 = arith.constant 39 : i32
    "tpu.region"() ({
      %run_scoped3A_74 = tpu.sem_alloc : memref<!tpu.dma_semaphore, #tpu.memory_space<semaphore_mem>>
      %dma_start3A_75 = arith.constant 0 : i32
      %dma_start3A_76 = tpu.memref_slice %arg7[%run_scoped3A_72, %dma_start3A_75] : memref<40x128xi32, #tpu.memory_space<vmem>> -> memref<1x128xi32, #tpu.memory_space<vmem>>
      %dma_start3A_77 = tpu.memref_squeeze %dma_start3A_76 : memref<1x128xi32, #tpu.memory_space<vmem>> -> memref<128xi32, #tpu.memory_space<vmem>>
      %dma_start3A_78 = arith.constant 0 : i32
      %dma_start3A_79 = arith.constant 0 : i32
      %dma_start3A_80 = tpu.memref_slice %arg10[%dma_start3A_78, %dma_start3A_79] : memref<10240x128xf32, #tpu.memory_space<vmem_shared>> -> memref<10240x128xf32, #tpu.memory_space<vmem_shared>>
      tpu.enqueue_indirect_dma source(%arg9 : memref<128x128xf32, #tpu.memory_space<vmem>>) target(%dma_start3A_80 : memref<10240x128xf32, #tpu.memory_space<vmem_shared>>) offsets(%dma_start3A_77 : memref<128xi32, #tpu.memory_space<vmem>>) semaphore(%run_scoped3A_74 : memref<!tpu.dma_semaphore, #tpu.memory_space<semaphore_mem>>) {add = true}
      %dma_wait3A_81 = arith.constant 0 : i32
      %dma_wait3A_82 = tpu.memref_slice %arg7[%run_scoped3A_72, %dma_wait3A_81] : memref<40x128xi32, #tpu.memory_space<vmem>> -> memref<1x128xi32, #tpu.memory_space<vmem>>
      %dma_wait3A_83 = tpu.memref_squeeze %dma_wait3A_82 : memref<1x128xi32, #tpu.memory_space<vmem>> -> memref<128xi32, #tpu.memory_space<vmem>>
      %dma_wait3A_84 = arith.constant 0 : i32
      %dma_wait3A_85 = arith.constant 0 : i32
      %dma_wait3A_86 = tpu.memref_slice %arg10[%dma_wait3A_84, %dma_wait3A_85] : memref<10240x128xf32, #tpu.memory_space<vmem_shared>> -> memref<10240x128xf32, #tpu.memory_space<vmem_shared>>
      tpu.wait_indirect_dma semaphore(%run_scoped3A_74 : memref<!tpu.dma_semaphore, #tpu.memory_space<semaphore_mem>>) src(%arg9 : memref<128x128xf32, #tpu.memory_space<vmem>>) dst(%dma_wait3A_86 : memref<10240x128xf32, #tpu.memory_space<vmem_shared>>)
      tpu.yield
    }) : () -> ()
    %barrier3A_73 = arith.constant 0 : index
    tpu.barrier barrier_id(%barrier3A_73)
    "tpu.region"() ({
      %run_scoped3A_74 = tpu.sem_alloc : memref<!tpu.dma_semaphore, #tpu.memory_space<semaphore_mem>>
      %dma_start3A_75 = arith.constant 0 : i32
      %dma_start3A_76 = tpu.memref_slice %arg5[%arg0, %mul3A_2, %dma_start3A_75] : memref<2x10240x128xf32, #tpu.memory_space<hbm>> -> memref<1x640x128xf32, #tpu.memory_space<hbm>>
      %dma_start3A_77 = tpu.memref_squeeze %dma_start3A_76 : memref<1x640x128xf32, #tpu.memory_space<hbm>> -> memref<640x128xf32, #tpu.memory_space<hbm>>
      %dma_start3A_78 = arith.constant 0 : i32
      %dma_start3A_79 = tpu.memref_slice %arg10[%mul3A_2, %dma_start3A_78] : memref<10240x128xf32, #tpu.memory_space<vmem_shared>> -> memref<640x128xf32, #tpu.memory_space<vmem_shared>>
      tpu.enqueue_dma source(%dma_start3A_79 : memref<640x128xf32, #tpu.memory_space<vmem_shared>>) target(%dma_start3A_77 : memref<640x128xf32, #tpu.memory_space<hbm>>) target_semaphore(%run_scoped3A_74 : memref<!tpu.dma_semaphore, #tpu.memory_space<semaphore_mem>>)
      %dma_wait3A_80 = arith.constant 0 : i32
      %dma_wait3A_81 = tpu.memref_slice %arg5[%arg0, %mul3A_2, %dma_wait3A_80] : memref<2x10240x128xf32, #tpu.memory_space<hbm>> -> memref<1x640x128xf32, #tpu.memory_space<hbm>>
      %dma_wait3A_82 = tpu.memref_squeeze %dma_wait3A_81 : memref<1x640x128xf32, #tpu.memory_space<hbm>> -> memref<640x128xf32, #tpu.memory_space<hbm>>
      %dma_wait3A_83 = arith.constant 0 : i32
      %dma_wait3A_84 = tpu.memref_slice %arg10[%mul3A_2, %dma_wait3A_83] : memref<10240x128xf32, #tpu.memory_space<vmem_shared>> -> memref<640x128xf32, #tpu.memory_space<vmem_shared>>
      tpu.wait_dma2 semaphore(%run_scoped3A_74 : memref<!tpu.dma_semaphore, #tpu.memory_space<semaphore_mem>>) src(%dma_wait3A_84 : memref<640x128xf32, #tpu.memory_space<vmem_shared>>) dst(%dma_wait3A_82 : memref<640x128xf32, #tpu.memory_space<hbm>>)
      tpu.yield
    }) : () -> ()
    return
  }
}

module attributes {stable_mosaic.version = 14 : i64} {
  func.func @body(%arg0: i32, %arg1: memref<1024x128xf32, #tpu.memory_space<vmem>>, %arg2: memref<128x128xf32, #tpu.memory_space<vmem>>, %arg3: memref<2x1024xf32, #tpu.memory_space<vmem>>, %arg4: memref<1024x128xf32, #tpu.memory_space<vmem>>) attributes {dimension_semantics = [#tpu.dimension_semantics<arbitrary>], iteration_bounds = array<i64: 10>, scalar_prefetch = 0 : i64, scratch_operands = 0 : i64, tpu.core_type = #tpu.core_type<tc>, window_params = [{transform_indices = @transform_0, window_bounds = array<i64: 1024, 128>}, {pipeline_mode = #tpu.pipeline_mode<synchronous>, transform_indices = @transform_1, window_bounds = array<i64: 128, 128>}, {transform_indices = @transform_2, window_bounds = array<i64: 2, 1024>}, {transform_indices = @transform_3, window_bounds = array<i64: 1024, 128>}]} {
    %get3A = arith.constant 0 : index
    %get3A_0 = arith.constant 0 : index
    %get3A_1 = vector.load %arg3[%get3A, %get3A_0] : memref<2x1024xf32, #tpu.memory_space<vmem>>, vector<1x1024xf32>
    %get3A_2 = vector.shape_cast %get3A_1 : vector<1x1024xf32> to vector<1024xf32>
    %get3A_3 = arith.constant 1 : index
    %get3A_4 = arith.constant 0 : index
    %get3A_5 = vector.load %arg3[%get3A_3, %get3A_4] : memref<2x1024xf32, #tpu.memory_space<vmem>>, vector<1x1024xf32>
    %get3A_6 = vector.shape_cast %get3A_5 : vector<1x1024xf32> to vector<1024xf32>
    %add3A = arith.addf %get3A_2, %get3A_6 : vector<1024xf32>
    %add3A_7 = arith.constant 1.000000e+00 : f32
    %add3A_8 = vector.broadcast %add3A_7 : f32 to vector<1024xf32>
    %add3A_9 = arith.addf %add3A, %add3A_8 : vector<1024xf32>
    %rsqrt3A = math.rsqrt %add3A_9 : vector<1024xf32>
    %get3A_10 = arith.constant 0 : index
    %get3A_11 = arith.constant 0 : index
    %get3A_12 = vector.load %arg1[%get3A_10, %get3A_11] : memref<1024x128xf32, #tpu.memory_space<vmem>>, vector<1024x128xf32>
    %get3A_13 = arith.constant 0 : index
    %get3A_14 = arith.constant 0 : index
    %get3A_15 = vector.load %arg2[%get3A_13, %get3A_14] : memref<128x128xf32, #tpu.memory_space<vmem>>, vector<128x128xf32>
    %dot_general3A = arith.constant dense<0.000000e+00> : vector<1024x128xf32>
    %dot_general3A_16 = tpu.matmul %get3A_12, %get3A_15, %dot_general3A {dimension_numbers = #tpu.dot_dimension_numbers<[1], [0], [0], [1], [0, 0, 1, 1], [], []>, transpose_lhs_hint = false} : vector<1024x128xf32>, vector<128x128xf32>, vector<1024x128xf32> -> vector<1024x128xf32>
    %broadcast_in_dim3A = vector.shape_cast %rsqrt3A : vector<1024xf32> to vector<1024x1xf32>
    %mul3A = vector.broadcast %broadcast_in_dim3A : vector<1024x1xf32> to vector<1024x128xf32>
    %mul3A_17 = arith.mulf %dot_general3A_16, %mul3A : vector<1024x128xf32>
    %swap3A = arith.constant 0 : index
    %swap3A_18 = arith.constant 0 : index
    %swap3A_19 = vector.load %arg4[%swap3A, %swap3A_18] : memref<1024x128xf32, #tpu.memory_space<vmem>>, vector<1024x128xf32>
    tpu.vector_store %arg4[%swap3A, %swap3A_18], %mul3A_17 {strides = array<i32>} : memref<1024x128xf32, #tpu.memory_space<vmem>>, vector<1024x128xf32>,
    return
  }
  func.func @transform_0(%arg0: i32) -> (i32, i32) {
    %c0_i32 = arith.constant 0 : i32
    %c0_i32_0 = arith.constant 0 : i32
    return %arg0, %c0_i32 : i32, i32
  }
  func.func @transform_1(%arg0: i32) -> (i32, i32) {
    %c0_i32 = arith.constant 0 : i32
    %c0_i32_0 = arith.constant 0 : i32
    %c0_i32_1 = arith.constant 0 : i32
    return %c0_i32, %c0_i32_0 : i32, i32
  }
  func.func @transform_2(%arg0: i32) -> (i32, i32) {
    %c0_i32 = arith.constant 0 : i32
    %c0_i32_0 = arith.constant 0 : i32
    return %c0_i32, %arg0 : i32, i32
  }
  func.func @transform_3(%arg0: i32) -> (i32, i32) {
    %c0_i32 = arith.constant 0 : i32
    %c0_i32_0 = arith.constant 0 : i32
    return %arg0, %c0_i32 : i32, i32
  }
}

module attributes {stable_mosaic.version = 14 : i64} {
  func.func @body(%arg0: i32, %arg1: memref<2x1024x128xf32, #tpu.memory_space<vmem>>, %arg2: memref<1024x128xf32, #tpu.memory_space<vmem>>, %arg3: memref<2x1024xf32, #tpu.memory_space<vmem>>, %arg4: memref<1x128xf32, #tpu.memory_space<vmem>>, %arg5: memref<1024x128xf32, #tpu.memory_space<vmem>>) attributes {dimension_semantics = [#tpu.dimension_semantics<arbitrary>], iteration_bounds = array<i64: 10>, scalar_prefetch = 0 : i64, scratch_operands = 0 : i64, tpu.core_type = #tpu.core_type<tc>, window_params = [{transform_indices = @transform_0, window_bounds = array<i64: 2, 1024, 128>}, {transform_indices = @transform_1, window_bounds = array<i64: 1024, 128>}, {transform_indices = @transform_2, window_bounds = array<i64: 2, 1024>}, {pipeline_mode = #tpu.pipeline_mode<synchronous>, transform_indices = @transform_3, window_bounds = array<i64: 1, 128>}, {transform_indices = @transform_4, window_bounds = array<i64: 1024, 128>}]} {
    %get3A = arith.constant 0 : index
    %get3A_0 = arith.constant 0 : index
    %get3A_1 = vector.load %arg3[%get3A, %get3A_0] : memref<2x1024xf32, #tpu.memory_space<vmem>>, vector<1x1024xf32>
    %get3A_2 = vector.shape_cast %get3A_1 : vector<1x1024xf32> to vector<1024xf32>
    %get3A_3 = arith.constant 1 : index
    %get3A_4 = arith.constant 0 : index
    %get3A_5 = vector.load %arg3[%get3A_3, %get3A_4] : memref<2x1024xf32, #tpu.memory_space<vmem>>, vector<1x1024xf32>
    %get3A_6 = vector.shape_cast %get3A_5 : vector<1x1024xf32> to vector<1024xf32>
    %add3A = arith.addf %get3A_2, %get3A_6 : vector<1024xf32>
    %add3A_7 = arith.constant 1.000000e+00 : f32
    %add3A_8 = vector.broadcast %add3A_7 : f32 to vector<1024xf32>
    %add3A_9 = arith.addf %add3A, %add3A_8 : vector<1024xf32>
    %rsqrt3A = math.rsqrt %add3A_9 : vector<1024xf32>
    %get3A_10 = arith.constant 0 : index
    %get3A_11 = arith.constant 0 : index
    %get3A_12 = arith.constant 0 : index
    %get3A_13 = vector.load %arg1[%get3A_10, %get3A_11, %get3A_12] : memref<2x1024x128xf32, #tpu.memory_space<vmem>>, vector<1x1024x128xf32>
    %get3A_14 = vector.shape_cast %get3A_13 : vector<1x1024x128xf32> to vector<1024x128xf32>
    %get3A_15 = arith.constant 1 : index
    %get3A_16 = arith.constant 0 : index
    %get3A_17 = arith.constant 0 : index
    %get3A_18 = vector.load %arg1[%get3A_15, %get3A_16, %get3A_17] : memref<2x1024x128xf32, #tpu.memory_space<vmem>>, vector<1x1024x128xf32>
    %get3A_19 = vector.shape_cast %get3A_18 : vector<1x1024x128xf32> to vector<1024x128xf32>
    %add3A_20 = arith.addf %get3A_14, %get3A_19 : vector<1024x128xf32>
    %get3A_21 = arith.constant 0 : index
    %get3A_22 = arith.constant 0 : index
    %get3A_23 = vector.load %arg2[%get3A_21, %get3A_22] : memref<1024x128xf32, #tpu.memory_space<vmem>>, vector<1024x128xf32>
    %sub3A = arith.subf %add3A_20, %get3A_23 : vector<1024x128xf32>
    %broadcast_in_dim3A = vector.shape_cast %rsqrt3A : vector<1024xf32> to vector<1024x1xf32>
    %mul3A = vector.broadcast %broadcast_in_dim3A : vector<1024x1xf32> to vector<1024x128xf32>
    %mul3A_24 = arith.mulf %sub3A, %mul3A : vector<1024x128xf32>
    %get3A_25 = arith.constant 0 : index
    %get3A_26 = arith.constant 0 : index
    %get3A_27 = vector.load %arg4[%get3A_25, %get3A_26] : memref<1x128xf32, #tpu.memory_space<vmem>>, vector<1x128xf32>
    %get3A_28 = vector.shape_cast %get3A_27 : vector<1x128xf32> to vector<128xf32>
    %broadcast_in_dim3A_29 = vector.shape_cast %get3A_28 : vector<128xf32> to vector<1x128xf32>
    %add3A_30 = vector.broadcast %broadcast_in_dim3A_29 : vector<1x128xf32> to vector<1024x128xf32>
    %add3A_31 = arith.addf %mul3A_24, %add3A_30 : vector<1024x128xf32>
    %max3A = arith.constant 0.000000e+00 : f32
    %max3A_32 = vector.broadcast %max3A : f32 to vector<1024x128xf32>
    %max3A_33 = arith.maximumf %add3A_31, %max3A_32 : vector<1024x128xf32>
    %swap3A = arith.constant 0 : index
    %swap3A_34 = arith.constant 0 : index
    %swap3A_35 = vector.load %arg5[%swap3A, %swap3A_34] : memref<1024x128xf32, #tpu.memory_space<vmem>>, vector<1024x128xf32>
    tpu.vector_store %arg5[%swap3A, %swap3A_34], %max3A_33 {strides = array<i32>} : memref<1024x128xf32, #tpu.memory_space<vmem>>, vector<1024x128xf32>,
    return
  }
  func.func @transform_0(%arg0: i32) -> (i32, i32, i32) {
    %c0_i32 = arith.constant 0 : i32
    %c0_i32_0 = arith.constant 0 : i32
    %c0_i32_1 = arith.constant 0 : i32
    return %c0_i32, %arg0, %c0_i32_0 : i32, i32, i32
  }
  func.func @transform_1(%arg0: i32) -> (i32, i32) {
    %c0_i32 = arith.constant 0 : i32
    %c0_i32_0 = arith.constant 0 : i32
    return %arg0, %c0_i32 : i32, i32
  }
  func.func @transform_2(%arg0: i32) -> (i32, i32) {
    %c0_i32 = arith.constant 0 : i32
    %c0_i32_0 = arith.constant 0 : i32
    return %c0_i32, %arg0 : i32, i32
  }
  func.func @transform_3(%arg0: i32) -> (i32, i32) {
    %c0_i32 = arith.constant 0 : i32
    %c0_i32_0 = arith.constant 0 : i32
    %c0_i32_1 = arith.constant 0 : i32
    return %c0_i32, %c0_i32_0 : i32, i32
  }
  func.func @transform_4(%arg0: i32) -> (i32, i32) {
    %c0_i32 = arith.constant 0 : i32
    %c0_i32_0 = arith.constant 0 : i32
    return %arg0, %c0_i32 : i32, i32
  }
}

</mosaic_0001>

<sc_bundles>
// kernel: kernel.6.cloned.1.call-start
scs
__scs_entry_jumppad:
0x0: {  	(pc) =	sbr.rel $0x88, $3  }
0x1: {  	(tag) =	ssettag $0x0;
	lr =	simm.s32 $0x1  }
0x2: {  	[smem:$0x3F9D] =	sst lr;
	_ =	strace $0xD0000000  }
0x3: {  	_ = 	snop  }
0x4: {  	_ = 	snop  }
0x5: {  	_ = 	snop  }
0x6: {  	_ = 	snop  }
0x7: {  	_ = 	snop  }
__scs_overlays_trampoline_lowered:
0x8: {  	[smem:$0x3FAC] =	sst s0  }
0x9: {  	[smem:$0x3FAD] =	sst s1  }
0xa: {  	[smem:$0x3FAE] =	sst s2  }
0xb: {  	[smem:$0x3FAF] =	sst s3  }
0xc: {  	[smem:$0x3FB0] =	sst s4  }
0xd: {  	[smem:$0x3FB1] =	sst s5  }
0xe: {  	[smem:$0x3FB2] =	sst s6  }
0xf: {  	[smem:$0x3FB3] =	sst s7  }
0x10: {  	[smem:$0x3FB4] =	sst s8  }
0x11: {  	[smem:$0x3FB5] =	sst s9;
	s0 =	simm.s32 @!p0 $0x0  }
0x12: {  	s1 =	sld [smem:$0x3F9B];
	s0 =	simm.s32 @p0 $0x1  }
0x13: {  	[smem:$0x3FB6] =	sst s0;
	s0 =	simm.s32 @!p1 $0x0  }
0x14: {  	s2 =	sld [smem:$0x3F9A];
	s0 =	simm.s32 @p1 $0x1  }
0x15: {  	[smem:$0x3FB7] =	sst s0;
	s0 =	simm.s32 @!p2 $0x0  }
0x16: {  	s3 =	sld [smem:$0x3FDB];
	s0 =	simm.s32 @p2 $0x1  }
0x17: {  	s4 =	simm.s32 $0x1BF5;
	[smem:$0x3FB9] =	sst s0  }
0x18: {  	s0 =	sld [smem:$0x3F9C];
	_ =	swait.ge [sflag:s4], $0x0  }
0x19: {  	s7 =	sld [smem:$0x3F9D]  }
0x1a: {  	s8 =	sadd.s32 $0xFFFFE003, lr  }
0x1b: {  	s9 =	sadd.s32 $0xFFFFFEF7, lr;
	s5 =	simm.s32 $0xFFFFFFFF;
	p2 =	slt.u32 s8, $0xFFFFF086  }
0x1c: {  	p1 =	slt.u32 s9, $0xF7A;
	s5 =	simm.s32 @!p2 $0x0  }
0x1d: {  	s5 =	simm.s32 @p1 $0x1;
	p0 =	seq.s32 s7, s2  }
0x1e: {  	s7 =	smul.u32 @!p0 $0xF7A, s2;
	p2 =	seq.s32 @!p0 s5, $0x0  }
0x1f: {  	s9 =	smul.u32 $0xF7A, s1;
	s8 =	simm.s32 @!p0 $0x1BF5;
	p2 =	por !p2, p0  }
0x20: {  	[sflag:s8] =	ssyncset.s32 @!p0 $0xFFFFF086;
	s6 =	sadd.s32 @!p0 s3, s7;
	s7 =	simm.s32 @!p0 $0x108  }
0x21: {  	s3 =	sadd.s32 s3, s9;
	s6 =	sadd.s32 @!p0 $0x88, s6;
	s7 =	simm.s32 @p2 $0x1082  }
0x22: {  	[simem:s7], [sflag:s8] =	dma.local @!p0 [hbm:s6], $0xF7A  }
0x23: {  	s9 =	sor.u32 $0xD0000000, s2;
	s6 =	simm.s32 $0x108;
	_ =	swait.ge @!p0 [sflag:s8], $0x0  }
0x24: {  	s3 =	sadd.s32 $0x88, s3;
	s6 =	simm.s32 @!p1 $0x1082;
	[sflag:s4] =	ssyncset.s32 $0xFFFFF086  }
0x25: {  	[simem:s6], [sflag:s4] =	dma.local [hbm:s3], $0xF7A  }
0x26: {  	[smem:$0x3F9D] =	sst s1;
	(tag) =	ssettag s2;
	_ =	strace s9  }
0x27: {  	s1 =	sld [smem:$0x3FAD]  }
0x28: {  	s2 =	sld [smem:$0x3FAE]  }
0x29: {  	s4 =	sld [smem:$0x3FB0]  }
0x2a: {  	p0 =	seq.s32 s5, $0x0;
	s5 =	sld [smem:$0x3FB1]  }
0x2b: {  	s6 =	sld [smem:$0x3FB2]  }
0x2c: {  	s7 =	sld [smem:$0x3FB3]  }
0x2d: {  	s3 =	simm.s32 $0x108;
	s8 =	sld [smem:$0x3FB4]  }
0x2e: {  	s3 =	simm.s32 @!p0 $0x1082;
	s9 =	sld [smem:$0x3FB5]  }
0x2f: {  	lr =	sadd.s32 s0, s3;
	s0 =	sld [smem:$0x3FAC]  }
0x30: {  	s3 =	sld [smem:$0x3FAF]  }
0x31: {  	[smem:$0x3FB8] =	sst s10  }
0x32: {  	s10 =	sld [smem:$0x3FB6];
	_ =	sdelay $0x3  }
0x33: {  	p0 =	seq.s32 s10, $0x1;
	s10 =	sld [smem:$0x3FB8];
	_ =	sdelay $0x3  }
0x34: {  	[smem:$0x3FB8] =	sst s10  }
0x35: {  	s10 =	sld [smem:$0x3FB7];
	_ =	sdelay $0x3  }
0x36: {  	p1 =	seq.s32 s10, $0x1;
	s10 =	sld [smem:$0x3FB8];
	_ =	sdelay $0x3  }
0x37: {  	[smem:$0x3FB8] =	sst s10  }
0x38: {  	s10 =	sld [smem:$0x3FB9]  }
0x39: {  	_ = 	snop;
	(pc) =	sbr.ind lr, $3  }
0x3a: {  	_ = 	snop  }
0x3b: {  	_ = 	snop  }
0x3c: {  	p2 =	seq.s32 s10, $0x1;
	s10 =	sld [smem:$0x3FB8]  }
0x3d: {  	_ =	shalt  }
0x3e: {  	_ =	shalt  }
0x3f: {  	_ =	shalt  }
0x40: {  	_ =	shalt  }
0x41: {  	_ =	shalt  }
0x42: {  	_ =	shalt  }
0x43: {  	_ =	shalt  }
0x44: {  	_ =	shalt  }
0x45: {  	_ =	shalt  }
0x46: {  	_ =	shalt  }
0x47: {  	_ =	shalt  }
0x48: {  	_ =	shalt  }
0x49: {  	_ =	shalt  }
0x4a: {  	_ =	shalt  }
0x4b: {  	_ =	shalt  }
0x4c: {  	_ =	shalt  }
0x4d: {  	_ =	shalt  }
0x4e: {  	_ =	shalt  }
0x4f: {  	_ =	shalt  }
0x50: {  	_ =	shalt  }
0x51: {  	_ =	shalt  }
0x52: {  	_ =	shalt  }
0x53: {  	_ =	shalt  }
0x54: {  	_ =	shalt  }
0x55: {  	_ =	shalt  }
0x56: {  	_ =	shalt  }
0x57: {  	_ =	shalt  }
0x58: {  	_ =	shalt  }
0x59: {  	_ =	shalt  }
0x5a: {  	_ =	shalt  }
0x5b: {  	_ =	shalt  }
0x5c: {  	_ =	shalt  }
0x5d: {  	_ =	shalt  }
0x5e: {  	_ =	shalt  }
0x5f: {  	_ =	shalt  }
0x60: {  	_ =	shalt  }
0x61: {  	_ =	shalt  }
0x62: {  	_ =	shalt  }
0x63: {  	_ =	shalt  }
0x64: {  	_ =	shalt  }
0x65: {  	_ =	shalt  }
0x66: {  	_ =	shalt  }
0x67: {  	_ =	shalt  }
0x68: {  	_ =	shalt  }
0x69: {  	_ =	shalt  }
0x6a: {  	_ =	shalt  }
0x6b: {  	_ =	shalt  }
0x6c: {  	_ =	shalt  }
0x6d: {  	_ =	shalt  }
0x6e: {  	_ =	shalt  }
0x6f: {  	_ =	shalt  }
0x70: {  	_ =	shalt  }
0x71: {  	_ =	shalt  }
0x72: {  	_ =	shalt  }
0x73: {  	_ =	shalt  }
0x74: {  	_ =	shalt  }
0x75: {  	_ =	shalt  }
0x76: {  	_ =	shalt  }
0x77: {  	_ =	shalt  }
0x78: {  	_ =	shalt  }
0x79: {  	_ =	shalt  }
0x7a: {  	_ =	shalt  }
0x7b: {  	_ =	shalt  }
0x7c: {  	_ =	shalt  }
0x7d: {  	_ =	shalt  }
0x7e: {  	_ =	shalt  }
0x7f: {  	_ =	shalt  }
0x80: {  	_ =	shalt  }
0x81: {  	_ =	shalt  }
0x82: {  	_ =	shalt  }
0x83: {  	_ =	shalt  }
0x84: {  	_ =	shalt  }
0x85: {  	_ =	shalt  }
0x86: {  	_ =	shalt  }
0x87: {  	_ =	shalt  }
.Lfunc_end0:
.L_simem_size_0:
called_computation_lowered:
.L_overlay_start_0:
0x88: {  	s2 =	sld [smem:$0x3FD9]  }
0x89: {  	s3 =	sld [smem:$0x3FFE];
	_ =	sdelay $0x1  }
0x8a: {  	s1 =	srdreg.scid  }
0x8b: {  	s0 =	sand.u32 $0x1, s1  }
0x8c: {  	s16 =	sshll.u32 s0, $0xA;
	s2 =	sadd.s32 s3, s2  }
0x8d: {  	s2 =	sadd.s32 s2, s16  }
0x8e: {  	[smem:$0x3FC4] =	sst s2  }
0x8f: {  	_ = 	snop  }
0x90: {  	(tm) =	ssettm $0x1  }
0x91: {  	s17 =	sld [smem:$0x3FFB];
	_ =	sdelay $0x3  }
0x92: {  	_ =	strace s17  }
0x93: {  	s2 =	sld [smem:$0x3FFC];
	_ =	sdelay $0x3  }
0x94: {  	_ =	strace s2  }
0x95: {  	s2 =	sld [smem:$0x3FFD];
	_ =	sdelay $0x3  }
0x96: {  	_ =	strace s2  }
0x97: {  	_ =	strace $0x8FFFFFFF  }
0x98: {  	s18 =	sld [smem:$0x3FDB];
	_ =	sdelay $0x1  }
0x99: {  	s19 =	simm.s32 $_scs_section_size  }
0x9a: {  	s4 =	simm.s32 $_size__tile_overlayer_lowered;
	s5 =	simm.s32 $_tile_overlayer_lowered  }
0x9b: {  	s22 =	simm.s32 $0x1BFF;
	s21 =	sshll.u32 s5, $0x1;
	s2 =	sadd.s32 s19, s18  }
0x9c: {  	s6 =	simm.s32 $0x0;
	s20 =	sshll.u32 s4, $0x1;
	s4 =	sadd.s32 s21, s2  }
0x9d: {  	[timem:s6], [sflag:s22] =	dma.local [hbm:s4], s20  }
0x9e: {  	_ =	swait.ge [sflag:s22], s20  }
0x9f: {  	s3 =	ssub.s32 $0x0, s20;
	[sflag:s22] =	ssyncset.done $0x0  }
0xa0: {  	[sflag:s22] =	ssyncadd.s32 s3;
	_ =	sdelay $0x1  }
0xa1: {  	s23 =	simm.s32 $0x1B8B  }
0xa2: {  	_ =	swait.ge [sflag:s23], $0x1  }
0xa3: {  	[sflag:s23] =	ssyncset.done $0x0  }
0xa4: {  	s25 =	simm.s32 $0x1B8E;
	s24 =	sld [smem:$0x3FFE];
	[sflag:s23] =	ssyncadd.s32 $0xFFFFFFFF  }
0xa5: {  	s26 =	simm.s32 $execute0_lowered;
	[smem:$0x3FD2] =	sst s25  }
0xa6: {  	s4 =	sshll.u32 s26, $0x1;
	_ =	strace $0x80000046;
	[dreg:$0x1] =	wrdreg $0xFFFFFFFF  }
0xa7: {  	s28 =	simm.s32 $_size_execute0_lowered;
	s2 =	sadd.s32 s2, s4;
	[dreg:$0x0] =	wrdreg $0x0  }
0xa8: {  	s4 =	sshll.u32 s28, $0x1;
	[dreg:$0x2] =	wrdreg s2  }
0xa9: {  	[dreg:$0x3] =	wrdreg s4  }
0xaa: {  	[dreg:$0x4] =	wrdreg $0xC0  }
0xab: {  	_ =	task [dreg:s6], $0x5FFFF  }
0xac: {  	[dreg:$0x1] =	wrdreg $0xFFFFFFFF  }
0xad: {  	[dreg:$0x0] =	wrdreg $0x60  }
0xae: {  	[dreg:$0x2] =	wrdreg s24  }
0xaf: {  	[dreg:$0x3] =	wrdreg $0x2B000  }
0xb0: {  	[dreg:$0x4] =	wrdreg $0x9  }
0xb1: {  	_ =	task.clear_ibuf [dreg:s6], $0x5FFFF;
	_ =	strace $0x90000046  }
0xb2: {  	s29 =	simm.s32 $0x9;
	_ =	strace $0x80000048  }
0xb3: {  	_ =	swait.ge [sflag:s29], $0x1  }
0xb4: {  	[sflag:s29] =	ssyncadd.s32 $0xFFFFFFFF  }
0xb5: {  	_ =	strace $0x90000048  }
0xb6: {  	_ =	sfence  }
0xb7: {  	s30 =	sld [smem:$0x0];
	_ =	sdelay $0x2  }
0xb8: {  	s31 =	sshll.u32 s1, $0xD;
	s1 =	sshrl.u32 s1, $0x2  }
0xb9: {  	s3 =	sand.u32 $0x4000, s31;
	s1 =	sadd.s32 s1, s30  }
0xba: {  	s0 =	sor.u32 s3, s0;
	s1 =	sshll.u32 s1, $0x11  }
0xbb: {  	s0 =	sor.u32 s1, s0  }
0xbc: {  	s0 =	sadd.s32 $0x8F2B, s0  }
0xbd: {  	[sflag:s0] =	ssyncadd.remote.s32 $0x1  }
0xbe: {  	_ =	sfence.sel $0xFFFF  }
0xbf: {  	[dreg:$0x0] =	wrdreg $0xFFFFFFFF;
	(pc) =	sbr.abs _section_cstart, $3  }
0xc0: {  	[dreg:$0x1] =	wrdreg $0xFFFFFFFF  }
0xc1: {  	_ =	task.clear_ibuf [dreg:s6], $0x2FFFF;
	_ =	strace $0x9FFFFFFF  }
0xc2: {  	(tm) =	ssettm $0x7FFFFFFF  }
0xc3: {  	_ =	shalt  }
tec
execute0_lowered:
.L_overlay_start_1:
0x0: {  	(tag) =	ssettag $0x1  }
0x1: {  	s4 =	rddreg [dreg:$0x0]  }
0x2: {  	s1 =	rddreg [dreg:$0x1]  }
0x3: {  	s2 =	srdreg.scid;
	s0 =	rddreg [dreg:$0x2];
	s3 =	simm.s32 $0x0  }
0x4: {  	s10 =	simm.s32 $0x80;
	s11 =	simm.s32 $0x2800;
	s12 =	simm.s32 $0x1  }
0x5: {  	s15 =	simm.s32 $0x20;
	s16 =	simm.s32 $0x10;
	s17 =	simm.s32 $0x0  }
0x6: {  	s5 =	sand.u32 $0x1, s2;
	s2 =	stileid.u32;
	[smem:$0x7FF] =	sst s3  }
0x7: {  	s6 =	sshll.u32 s5, $0x4;
	s7 =	smul.u32 $0x500, s2;
	_ =	strace $0x80000047  }
0x8: {  	s8 =	sshll.u32 s5, $0x7;
	s5 =	ssub.s32 $0x2, s5;
	s30 =	smul.u32 $0xA00, s2  }
0x9: {  	s13 =	sshll.u32 s2, $0x6;
	s6 =	sor.u32 s2, s6;
	s9 =	sshrl.u32 s5, $0x1  }
0xa: {  	s13 =	sor.u32 $0x1C02, s13;
	s6 =	smul.u32 $0x500, s6;
	s7 =	sor.u32 s8, s7  }
0xb: {  	s9 =	ssub.s32 s5, s9;
	s31 =	sshrl.u32 s30, $0x2;
	s8 =	simm.s32 $0x2  }
0xc: {  	s7 =	sshrl.u32 s7, $0x3;
	s5 =	sadd.s32 s31, s1;
	s6 =	sadd.s32 s6, s4  }
0xd: {  	s7 =	sadd.s32 s7, s4;
	s14 =	sshrl.u32 s5, $0x3;
	s4 =	sadd.s32 $0x1C00, s6  }
0xe: {  	v0 =	vimm.f32 $1.000000000e+00;
	v1 =	vimm.f32 $0.0e+00;
	s6 =	sadd.s32 $0xBC00, s7;
	s7 =	smax.u32 s9, $0x1;
	s9 =	simm.s32 $0x2880  }
.LBB2_1:
0xf: {  	[tilespmem:s3], [sflag:$0x2] =	stream.linear.gather [hbm4b:s4+s3], $0x2800, $0x38;
	[tilespmem:$0x2D80] =	vst v63  }
0x10: {  	_ =	swait.ge [sflag:s8], $0x2800  }
0x11: {  	[sflag:s8] =	ssyncset.done $0x0  }
0x12: {  	[sflag:s8] =	ssyncadd.s32 $0xFFFFD800  }
0x13: {  	[tilespmem:$0x2800] =	vst v0  }
0x14: {  	[tilespmem:$0x2810] =	vst v0  }
0x15: {  	[tilespmem:$0x2820] =	vst v0  }
0x16: {  	[tilespmem:$0x2830] =	vst v0  }
0x17: {  	[tilespmem:$0x2840] =	vst v0  }
0x18: {  	[tilespmem:$0x2850] =	vst v0  }
0x19: {  	[tilespmem:$0x2860] =	vst v0  }
0x1a: {  	[tilespmem:$0x2870] =	vst v0  }
0x1b: {  	[tilespmem:$0x2880] =	vst v1  }
0x1c: {  	[tilespmem:$0x2890] =	vst v1  }
0x1d: {  	[tilespmem:$0x28A0] =	vst v1  }
0x1e: {  	[tilespmem:$0x28B0] =	vst v1  }
0x1f: {  	[tilespmem:$0x28C0] =	vst v1  }
0x20: {  	[tilespmem:$0x28D0] =	vst v1  }
0x21: {  	[tilespmem:$0x28E0] =	vst v1  }
0x22: {  	[tilespmem:$0x28F0] =	vst v1  }
0x23: {  	[tilespmem:$0x2900] =	vst v1  }
0x24: {  	[tilespmem:$0x2910] =	vst v1  }
0x25: {  	[tilespmem:$0x2920] =	vst v1  }
0x26: {  	[tilespmem:$0x2930] =	vst v1  }
0x27: {  	[tilespmem:$0x2940] =	vst v1  }
0x28: {  	[tilespmem:$0x2950] =	vst v1  }
0x29: {  	[tilespmem:$0x2960] =	vst v1  }
0x2a: {  	[tilespmem:$0x2970] =	vst v1  }
0x2b: {  	[tilespmem:$0x2980] =	vst v1  }
0x2c: {  	[tilespmem:$0x2990] =	vst v1  }
0x2d: {  	[tilespmem:$0x29A0] =	vst v1  }
0x2e: {  	[tilespmem:$0x29B0] =	vst v1  }
0x2f: {  	[tilespmem:$0x29C0] =	vst v1  }
0x30: {  	[tilespmem:$0x29D0] =	vst v1  }
0x31: {  	[tilespmem:$0x29E0] =	vst v1  }
0x32: {  	[tilespmem:$0x29F0] =	vst v1  }
0x33: {  	[tilespmem:$0x2A00] =	vst v1  }
0x34: {  	[tilespmem:$0x2A10] =	vst v1  }
0x35: {  	[tilespmem:$0x2A20] =	vst v1  }
0x36: {  	[tilespmem:$0x2A30] =	vst v1  }
0x37: {  	[tilespmem:$0x2A40] =	vst v1  }
0x38: {  	[tilespmem:$0x2A50] =	vst v1  }
0x39: {  	[tilespmem:$0x2A60] =	vst v1  }
0x3a: {  	[tilespmem:$0x2A70] =	vst v1  }
0x3b: {  	[tilespmem:$0x2A80] =	vst v1  }
0x3c: {  	[tilespmem:$0x2A90] =	vst v1  }
0x3d: {  	[tilespmem:$0x2AA0] =	vst v1  }
0x3e: {  	[tilespmem:$0x2AB0] =	vst v1  }
0x3f: {  	[tilespmem:$0x2AC0] =	vst v1  }
0x40: {  	[tilespmem:$0x2AD0] =	vst v1  }
0x41: {  	[tilespmem:$0x2AE0] =	vst v1  }
0x42: {  	[tilespmem:$0x2AF0] =	vst v1  }
0x43: {  	[spmem:s5] =	stream.linear.scatter [tilespmem:s9], [sflag:$0x2], $0x280, $0x38;
	[tilespmem:$0x2D80] =	vst v63  }
0x44: {  	_ =	swait.ge [sflag:s8], $0x280  }
0x45: {  	[sflag:s8] =	ssyncset.done $0x0  }
0x46: {  	[sflag:s8] =	ssyncadd.s32 $0xFFFFFD80  }
0x47: {  	s18 =	simm.s32 $0x200;
	s19 =	simm.s32 $0x0;
	[bflag:$0x0] =	sbarrier.arrive $0xFFFF  }
.LBB2_2:
0x48: {  	[spmem:s1] =	stream.indirect.scatter.add.f32 [tilespmem:s11], [sflag:$0x1], $0x1, s19, s10, $0xb8;
	[tilespmem:$0x2D80] =	vst v63  }
0x49: {  	s19 =	smov.u32 s18;
	p0 =	sne.s32 s18, $0x9E00  }
.Ltmp0:
0x4a: {  	s18 =	sadd.s32 $0x200, s18;
	(pc) =	sbr.rel @p0 .LBB2_2-.Ltmp0, $2  }
0x4b: {  	_ =	sdelay $0x2  }
0x4c: {  	s19 =	sshra.s32 s19, $0x2  }
0x4d: {  	[spmem:s1] =	stream.indirect.scatter.add.f32 [tilespmem:s11], [sflag:$0x1], $0x1, s19, s10, $0xb8;
	[tilespmem:$0x2D80] =	vst v63  }
0x4e: {  	_ =	swait.ge [sflag:s12], $0x2800  }
0x4f: {  	s17 =	sadd.s32 $0x1, s17;
	[sflag:s12] =	ssyncset.done $0x0  }
0x50: {  	p0 =	sne.s32 s17, s7;
	[sflag:s12] =	ssyncadd.s32 $0xFFFFD800  }
.Ltmp1:
0x51: {  	[bflag:$0x0] =	sbarrier.arrive $0xFFFF;
	(pc) =	sbr.rel @p0 .LBB2_1-.Ltmp1, $4  }
0x52: {  	[hbm:s6@s15], [sflag:s13] =	dma.strided [spmem:s14@s16], $0x50, s12, $0x10   }
0x53: {  	_ =	swait.ge [sflag:s8], $0x50  }
0x54: {  	[sflag:s8] =	ssyncset.done $0x0  }
0x55: {  	[sflag:s8] =	ssyncadd.s32 $0xFFFFFFB0  }
0x56: {  	_ =	sfence.sel $0x180000  }
0x57: {  	[bflag:$0x0] =	sbarrier.arrive $0xFFFF  }
0x58: {  	p0 =	sne.s32 s2, $0x0;
	_ =	strace $0x90000047  }
0x59: {  	s0 =	sadd.s32 @!p0 $0x100000, s0;
	[bflag:$0x2] =	sbarrier.arrive $0xFFFF  }
0x5a: {  	[sflag:s0] =	ssyncadd.tile.s32 @!p0 $0x1;
	_ =	shalt  }
.Lfunc_end2:
_tile_overlayer_lowered:
.L_overlay_start_2:
0x5b: {  	(tag) =	ssettag $0x2  }
0x5c: {  	s0 =	rddreg [dreg:$0x0];
	s2 =	stileid.u32  }
0x5d: {  	s1 =	rddreg [dreg:$0x1];
	p0 =	sne.s32 s2, $0x0  }
0x5e: {  	s3 =	rddreg [dreg:$0x2];
	[bflag:$0x3] =	sbarrier.arrive $0xFFFF;
	s2 =	simm.s32 @!p0 $0x1C02  }
0x5f: {  	[timem:s3], [sflag:s2] =	dma.local @!p0 [hbm:s0], s1  }
0x60: {  	s0 =	simm.s32 @!p0 $0x2  }
0x61: {  	_ =	swait.ge @!p0 [sflag:s0], s1  }
0x62: {  	s1 =	ssub.s32 @!p0 $0x0, s1;
	[sflag:s0] =	ssyncset.done @!p0 $0x0  }
0x63: {  	[sflag:s0] =	ssyncadd.s32 @!p0 s1  }
0x64: {  	[bflag:$0x3] =	sbarrier.arrive $0xFFFF  }
0x65: {  	_ =	shalt  }

// kernel: kernel.9.cloned.1.call-start
scs
__scs_entry_jumppad:
0x0: {  	(pc) =	sbr.rel $0x88, $3  }
0x1: {  	(tag) =	ssettag $0x0;
	lr =	simm.s32 $0x1  }
0x2: {  	[smem:$0x3F9D] =	sst lr;
	_ =	strace $0xD0000000  }
0x3: {  	_ = 	snop  }
0x4: {  	_ = 	snop  }
0x5: {  	_ = 	snop  }
0x6: {  	_ = 	snop  }
0x7: {  	_ = 	snop  }
__scs_overlays_trampoline_lowered:
0x8: {  	[smem:$0x3FAC] =	sst s0  }
0x9: {  	[smem:$0x3FAD] =	sst s1  }
0xa: {  	[smem:$0x3FAE] =	sst s2  }
0xb: {  	[smem:$0x3FAF] =	sst s3  }
0xc: {  	[smem:$0x3FB0] =	sst s4  }
0xd: {  	[smem:$0x3FB1] =	sst s5  }
0xe: {  	[smem:$0x3FB2] =	sst s6  }
0xf: {  	[smem:$0x3FB3] =	sst s7  }
0x10: {  	[smem:$0x3FB4] =	sst s8  }
0x11: {  	[smem:$0x3FB5] =	sst s9;
	s0 =	simm.s32 @!p0 $0x0  }
0x12: {  	s1 =	sld [smem:$0x3F9B];
	s0 =	simm.s32 @p0 $0x1  }
0x13: {  	[smem:$0x3FB6] =	sst s0;
	s0 =	simm.s32 @!p1 $0x0  }
0x14: {  	s2 =	sld [smem:$0x3F9A];
	s0 =	simm.s32 @p1 $0x1  }
0x15: {  	[smem:$0x3FB7] =	sst s0;
	s0 =	simm.s32 @!p2 $0x0  }
0x16: {  	s3 =	sld [smem:$0x3FDB];
	s0 =	simm.s32 @p2 $0x1  }
0x17: {  	s4 =	simm.s32 $0x1BF5;
	[smem:$0x3FB9] =	sst s0  }
0x18: {  	s0 =	sld [smem:$0x3F9C];
	_ =	swait.ge [sflag:s4], $0x0  }
0x19: {  	s7 =	sld [smem:$0x3F9D]  }
0x1a: {  	s8 =	sadd.s32 $0xFFFFE003, lr  }
0x1b: {  	s9 =	sadd.s32 $0xFFFFFEF7, lr;
	s5 =	simm.s32 $0xFFFFFFFF;
	p2 =	slt.u32 s8, $0xFFFFF086  }
0x1c: {  	p1 =	slt.u32 s9, $0xF7A;
	s5 =	simm.s32 @!p2 $0x0  }
0x1d: {  	s5 =	simm.s32 @p1 $0x1;
	p0 =	seq.s32 s7, s2  }
0x1e: {  	s7 =	smul.u32 @!p0 $0xF7A, s2;
	p2 =	seq.s32 @!p0 s5, $0x0  }
0x1f: {  	s9 =	smul.u32 $0xF7A, s1;
	s8 =	simm.s32 @!p0 $0x1BF5;
	p2 =	por !p2, p0  }
0x20: {  	[sflag:s8] =	ssyncset.s32 @!p0 $0xFFFFF086;
	s6 =	sadd.s32 @!p0 s3, s7;
	s7 =	simm.s32 @!p0 $0x108  }
0x21: {  	s3 =	sadd.s32 s3, s9;
	s6 =	sadd.s32 @!p0 $0x88, s6;
	s7 =	simm.s32 @p2 $0x1082  }
0x22: {  	[simem:s7], [sflag:s8] =	dma.local @!p0 [hbm:s6], $0xF7A  }
0x23: {  	s9 =	sor.u32 $0xD0000000, s2;
	s6 =	simm.s32 $0x108;
	_ =	swait.ge @!p0 [sflag:s8], $0x0  }
0x24: {  	s3 =	sadd.s32 $0x88, s3;
	s6 =	simm.s32 @!p1 $0x1082;
	[sflag:s4] =	ssyncset.s32 $0xFFFFF086  }
0x25: {  	[simem:s6], [sflag:s4] =	dma.local [hbm:s3], $0xF7A  }
0x26: {  	[smem:$0x3F9D] =	sst s1;
	(tag) =	ssettag s2;
	_ =	strace s9  }
0x27: {  	s1 =	sld [smem:$0x3FAD]  }
0x28: {  	s2 =	sld [smem:$0x3FAE]  }
0x29: {  	s4 =	sld [smem:$0x3FB0]  }
0x2a: {  	p0 =	seq.s32 s5, $0x0;
	s5 =	sld [smem:$0x3FB1]  }
0x2b: {  	s6 =	sld [smem:$0x3FB2]  }
0x2c: {  	s7 =	sld [smem:$0x3FB3]  }
0x2d: {  	s3 =	simm.s32 $0x108;
	s8 =	sld [smem:$0x3FB4]  }
0x2e: {  	s3 =	simm.s32 @!p0 $0x1082;
	s9 =	sld [smem:$0x3FB5]  }
0x2f: {  	lr =	sadd.s32 s0, s3;
	s0 =	sld [smem:$0x3FAC]  }
0x30: {  	s3 =	sld [smem:$0x3FAF]  }
0x31: {  	[smem:$0x3FB8] =	sst s10  }
0x32: {  	s10 =	sld [smem:$0x3FB6];
	_ =	sdelay $0x3  }
0x33: {  	p0 =	seq.s32 s10, $0x1;
	s10 =	sld [smem:$0x3FB8];
	_ =	sdelay $0x3  }
0x34: {  	[smem:$0x3FB8] =	sst s10  }
0x35: {  	s10 =	sld [smem:$0x3FB7];
	_ =	sdelay $0x3  }
0x36: {  	p1 =	seq.s32 s10, $0x1;
	s10 =	sld [smem:$0x3FB8];
	_ =	sdelay $0x3  }
0x37: {  	[smem:$0x3FB8] =	sst s10  }
0x38: {  	s10 =	sld [smem:$0x3FB9]  }
0x39: {  	_ = 	snop;
	(pc) =	sbr.ind lr, $3  }
0x3a: {  	_ = 	snop  }
0x3b: {  	_ = 	snop  }
0x3c: {  	p2 =	seq.s32 s10, $0x1;
	s10 =	sld [smem:$0x3FB8]  }
0x3d: {  	_ =	shalt  }
0x3e: {  	_ =	shalt  }
0x3f: {  	_ =	shalt  }
0x40: {  	_ =	shalt  }
0x41: {  	_ =	shalt  }
0x42: {  	_ =	shalt  }
0x43: {  	_ =	shalt  }
0x44: {  	_ =	shalt  }
0x45: {  	_ =	shalt  }
0x46: {  	_ =	shalt  }
0x47: {  	_ =	shalt  }
0x48: {  	_ =	shalt  }
0x49: {  	_ =	shalt  }
0x4a: {  	_ =	shalt  }
0x4b: {  	_ =	shalt  }
0x4c: {  	_ =	shalt  }
0x4d: {  	_ =	shalt  }
0x4e: {  	_ =	shalt  }
0x4f: {  	_ =	shalt  }
0x50: {  	_ =	shalt  }
0x51: {  	_ =	shalt  }
0x52: {  	_ =	shalt  }
0x53: {  	_ =	shalt  }
0x54: {  	_ =	shalt  }
0x55: {  	_ =	shalt  }
0x56: {  	_ =	shalt  }
0x57: {  	_ =	shalt  }
0x58: {  	_ =	shalt  }
0x59: {  	_ =	shalt  }
0x5a: {  	_ =	shalt  }
0x5b: {  	_ =	shalt  }
0x5c: {  	_ =	shalt  }
0x5d: {  	_ =	shalt  }
0x5e: {  	_ =	shalt  }
0x5f: {  	_ =	shalt  }
0x60: {  	_ =	shalt  }
0x61: {  	_ =	shalt  }
0x62: {  	_ =	shalt  }
0x63: {  	_ =	shalt  }
0x64: {  	_ =	shalt  }
0x65: {  	_ =	shalt  }
0x66: {  	_ =	shalt  }
0x67: {  	_ =	shalt  }
0x68: {  	_ =	shalt  }
0x69: {  	_ =	shalt  }
0x6a: {  	_ =	shalt  }
0x6b: {  	_ =	shalt  }
0x6c: {  	_ =	shalt  }
0x6d: {  	_ =	shalt  }
0x6e: {  	_ =	shalt  }
0x6f: {  	_ =	shalt  }
0x70: {  	_ =	shalt  }
0x71: {  	_ =	shalt  }
0x72: {  	_ =	shalt  }
0x73: {  	_ =	shalt  }
0x74: {  	_ =	shalt  }
0x75: {  	_ =	shalt  }
0x76: {  	_ =	shalt  }
0x77: {  	_ =	shalt  }
0x78: {  	_ =	shalt  }
0x79: {  	_ =	shalt  }
0x7a: {  	_ =	shalt  }
0x7b: {  	_ =	shalt  }
0x7c: {  	_ =	shalt  }
0x7d: {  	_ =	shalt  }
0x7e: {  	_ =	shalt  }
0x7f: {  	_ =	shalt  }
0x80: {  	_ =	shalt  }
0x81: {  	_ =	shalt  }
0x82: {  	_ =	shalt  }
0x83: {  	_ =	shalt  }
0x84: {  	_ =	shalt  }
0x85: {  	_ =	shalt  }
0x86: {  	_ =	shalt  }
0x87: {  	_ =	shalt  }
.Lfunc_end0:
.L_simem_size_0:
called_computation.1_lowered:
.L_overlay_start_0:
0x88: {  	s2 =	sld [smem:$0x3FD9]  }
0x89: {  	s3 =	sld [smem:$0x3FFE];
	_ =	sdelay $0x1  }
0x8a: {  	s1 =	srdreg.scid  }
0x8b: {  	s0 =	sand.u32 $0x1, s1  }
0x8c: {  	s17 =	sshll.u32 s0, $0xA;
	s2 =	sadd.s32 s3, s2  }
0x8d: {  	s2 =	sadd.s32 s2, s17  }
0x8e: {  	[smem:$0x3FC4] =	sst s2  }
0x8f: {  	_ = 	snop  }
0x90: {  	s2 =	sld [smem:$0x3FD0];
	(tm) =	ssettm $0x1  }
0x91: {  	s18 =	sld [smem:$0x3FFB];
	_ =	sdelay $0x3  }
0x92: {  	_ =	strace s18  }
0x93: {  	s3 =	sld [smem:$0x3FFC];
	_ =	sdelay $0x3  }
0x94: {  	_ =	strace s3  }
0x95: {  	s3 =	sld [smem:$0x3FFD];
	_ =	sdelay $0x3  }
0x96: {  	_ =	strace s3  }
0x97: {  	_ =	strace $0x8FFFFFFF  }
0x98: {  	s19 =	sld [smem:$0x3FDB];
	_ =	sdelay $0x1  }
0x99: {  	s4 =	simm.s32 $_scs_section_size  }
0x9a: {  	s5 =	simm.s32 $_size__tile_overlayer_lowered;
	s6 =	simm.s32 $_tile_overlayer_lowered  }
0x9b: {  	s22 =	simm.s32 $0x1BFF;
	s21 =	sshll.u32 s6, $0x1;
	s3 =	sadd.s32 s4, s19  }
0x9c: {  	s7 =	simm.s32 $0x0;
	s20 =	sshll.u32 s5, $0x1;
	s5 =	sadd.s32 s21, s3  }
0x9d: {  	[timem:s7], [sflag:s22] =	dma.local [hbm:s5], s20  }
0x9e: {  	_ =	swait.ge [sflag:s22], s20  }
0x9f: {  	s4 =	ssub.s32 $0x0, s20;
	[sflag:s22] =	ssyncset.done $0x0  }
0xa0: {  	[sflag:s22] =	ssyncadd.s32 s4;
	_ =	sdelay $0x1  }
0xa1: {  	s23 =	simm.s32 $0x1B8B  }
0xa2: {  	_ =	swait.ge [sflag:s23], $0x1  }
0xa3: {  	[sflag:s23] =	ssyncset.done $0x0  }
0xa4: {  	s25 =	simm.s32 $0x1B8E;
	s24 =	sld [smem:$0x3FFE];
	[sflag:s23] =	ssyncadd.s32 $0xFFFFFFFF  }
0xa5: {  	s26 =	simm.s32 $execute0_lowered;
	[smem:$0x3FD2] =	sst s25  }
0xa6: {  	s5 =	sshll.u32 s26, $0x1;
	_ =	strace $0x80000049;
	[dreg:$0x1] =	wrdreg $0xFFFFFFFF  }
0xa7: {  	s28 =	simm.s32 $_size_execute0_lowered;
	s3 =	sadd.s32 s3, s5;
	[dreg:$0x0] =	wrdreg $0x0  }
0xa8: {  	s5 =	sshll.u32 s28, $0x1;
	[dreg:$0x2] =	wrdreg s3  }
0xa9: {  	[dreg:$0x3] =	wrdreg s5  }
0xaa: {  	[dreg:$0x4] =	wrdreg $0xC0  }
0xab: {  	_ =	task [dreg:s7], $0x5FFFF  }
0xac: {  	[dreg:$0x1] =	wrdreg $0xFFFFFFFF  }
0xad: {  	[dreg:$0x0] =	wrdreg $0x60  }
0xae: {  	[dreg:$0x2] =	wrdreg s2  }
0xaf: {  	[dreg:$0x3] =	wrdreg s24  }
0xb0: {  	[dreg:$0x4] =	wrdreg $0xA8000  }
0xb1: {  	[dreg:$0x5] =	wrdreg $0x9  }
0xb2: {  	_ =	task.clear_ibuf [dreg:s7], $0x6FFFF;
	_ =	strace $0x90000049  }
0xb3: {  	s29 =	simm.s32 $0x9;
	_ =	strace $0x8000004B  }
0xb4: {  	_ =	swait.ge [sflag:s29], $0x1  }
0xb5: {  	[sflag:s29] =	ssyncadd.s32 $0xFFFFFFFF  }
0xb6: {  	_ =	strace $0x9000004B  }
0xb7: {  	_ =	sfence  }
0xb8: {  	s30 =	sld [smem:$0x0];
	_ =	sdelay $0x2  }
0xb9: {  	s31 =	sshll.u32 s1, $0xD;
	s1 =	sshrl.u32 s1, $0x2  }
0xba: {  	s3 =	sand.u32 $0x4000, s31;
	s1 =	sadd.s32 s1, s30  }
0xbb: {  	s0 =	sor.u32 s3, s0;
	s1 =	sshll.u32 s1, $0x11  }
0xbc: {  	s0 =	sor.u32 s1, s0  }
0xbd: {  	s0 =	sadd.s32 $0x8F2B, s0  }
0xbe: {  	[sflag:s0] =	ssyncadd.remote.s32 $0x1  }
0xbf: {  	_ =	sfence.sel $0xFFFF  }
0xc0: {  	[dreg:$0x0] =	wrdreg $0xFFFFFFFF;
	(pc) =	sbr.abs _section_cstart, $3  }
0xc1: {  	[dreg:$0x1] =	wrdreg $0xFFFFFFFF  }
0xc2: {  	_ =	task.clear_ibuf [dreg:s7], $0x2FFFF;
	_ =	strace $0x9FFFFFFF  }
0xc3: {  	(tm) =	ssettm $0x7FFFFFFF  }
tec
execute0_lowered:
.L_overlay_start_1:
0x0: {  	(tag) =	ssettag $0x1  }
0x1: {  	s9 =	rddreg [dreg:$0x0]  }
0x2: {  	s5 =	rddreg [dreg:$0x1]  }
0x3: {  	s1 =	srdreg.scid;
	s0 =	stileid.u32  }
0x4: {  	s2 =	rddreg [dreg:$0x2];
	s3 =	simm.s32 $0x0;
	s16 =	simm.s32 $0x80  }
0x5: {  	s17 =	simm.s32 $0x2800;
	s18 =	simm.s32 $0x6800;
	s19 =	simm.s32 $0x1  }
0x6: {  	s20 =	simm.s32 $0x2;
	s21 =	simm.s32 $0x2700;
	s22 =	simm.s32 $0x2780  }
0x7: {  	s6 =	sand.u32 $0x1, s1;
	s7 =	smul.u32 $0x14000, s0;
	s1 =	rddreg [dreg:$0x3]  }
0x8: {  	s23 =	simm.s32 $0x0;
	[smem:$0x7FF] =	sst s3;
	s12 =	smul.u32 $0x50000, s0  }
0x9: {  	s10 =	sadd.s32 $0x1C00, s5;
	s30 =	sshll.u32 s0, $0x6;
	s4 =	smul.u32 $0x140000, s6  }
0xa: {  	_ =	strace $0x8000004A;
	s11 =	ssub.s32 $0x2, s6;
	s6 =	sshll.u32 s6, $0x4  }
0xb: {  	s25 =	sshrl.u32 s11, $0x1;
	s6 =	sor.u32 s0, s6;
	s26 =	sshrl.u32 s12, $0x2  }
0xc: {  	s29 =	sshrl.u32 s7, $0x3;
	s8 =	sadd.s32 s7, s4;
	s4 =	sadd.s32 $0xBC00, s5  }
0xd: {  	s14 =	ssub.s32 s11, s25;
	s28 =	smul.u32 $0x2800, s6;
	s15 =	sadd.s32 s26, s2  }
0xe: {  	s6 =	sor.u32 $0x1C03, s30;
	s8 =	sshrl.u32 s8, $0x3;
	s12 =	smax.u32 s14, $0x1  }
0xf: {  	s14 =	simm.s32 $0x3;
	s13 =	sadd.s32 s8, s5;
	s31 =	sshrl.u32 s28, $0x3  }
0x10: {  	s5 =	sadd.s32 s4, s29;
	s7 =	sadd.s32 s9, s31;
	s11 =	sadd.s32 $0x280, s31  }
0x11: {  	s8 =	sadd.s32 s10, s31;
	s9 =	sadd.s32 s9, s11;
	s10 =	sadd.s32 s10, s11  }
0x12: {  	s11 =	sadd.s32 $0x33C00, s13;
	s13 =	sshrl.u32 s15, $0x3;
	s15 =	simm.s32 $0x1400  }
.LBB2_1:
0x13: {  	[spmem:s13], [sflag:s6] =	dma.local [hbm:s5], $0x2800  }
0x14: {  	_ =	swait.ge [sflag:s14], $0x2800  }
0x15: {  	[sflag:s14] =	ssyncset.done $0x0  }
0x16: {  	[sflag:s14] =	ssyncadd.s32 $0xFFFFD800  }
0x17: {  	[bflag:$0x0] =	sbarrier.arrive $0xFFFF  }
0x18: {  	[tilespmem:s3], [sflag:$0x3] =	stream.linear.gather [hbm4b:s7+s3], $0x1400, $0x38;
	[tilespmem:$0x1E800] =	vst v63  }
0x19: {  	_ =	swait.ge [sflag:s14], $0x1400  }
0x1a: {  	[sflag:s14] =	ssyncset.done $0x0  }
0x1b: {  	[sflag:s14] =	ssyncadd.s32 $0xFFFFEC00  }
0x1c: {  	[tilespmem:s15], [sflag:$0x3] =	stream.linear.gather [hbm4b:s8+s3], $0x1400, $0x38;
	[tilespmem:$0x1E800] =	vst v63  }
0x1d: {  	_ =	swait.ge [sflag:s14], $0x1400  }
0x1e: {  	[sflag:s14] =	ssyncset.done $0x0  }
0x1f: {  	[sflag:s14] =	ssyncadd.s32 $0xFFFFEC00  }
0x20: {  	[tilespmem:s17], [sflag:$0x1] =	stream.indirect.gather [hbm4b:s4+s16], $0x80, s3, s16, $0xb8;
	[tilespmem:$0x1E800] =	vst v63  }
0x21: {  	_ = 	snop  }
0x22: {  	[tilespmem:s18], [sflag:$0x2] =	stream.indirect.gather [hbm4b:s4+s16], $0x80, s16, s16, $0xb8;
	[tilespmem:$0x1E800] =	vst v63  }
0x23: {  	_ =	swait.ge [sflag:s19], $0x4000  }
0x24: {  	[sflag:s19] =	ssyncset.done $0x0  }
0x25: {  	s24 =	simm.s32 $0x1400;
	[sflag:s19] =	ssyncadd.s32 $0xFFFFC000  }
0x26: {  	[spmem:s2] =	stream.indirect.scatter.add.f32 [tilespmem:s17], [sflag:$0x3], $0x80, s24, s16, $0xb8;
	[tilespmem:$0x1E800] =	vst v63  }
0x27: {  	_ =	swait.ge [sflag:s14], $0x4000  }
0x28: {  	[sflag:s14] =	ssyncset.done $0x0  }
0x29: {  	s30 =	simm.s32 $0x100;
	[sflag:s14] =	ssyncadd.s32 $0xFFFFC000  }
0x2a: {  	[tilespmem:s17], [sflag:$0x1] =	stream.indirect.gather [hbm4b:s4+s16], $0x80, s30, s16, $0xb8;
	[tilespmem:$0x1E800] =	vst v63  }
0x2b: {  	_ =	swait.ge [sflag:s20], $0x4000  }
0x2c: {  	[sflag:s20] =	ssyncset.done $0x0  }
0x2d: {  	s31 =	simm.s32 $0x1480;
	[sflag:s20] =	ssyncadd.s32 $0xFFFFC000  }
0x2e: {  	[spmem:s2] =	stream.indirect.scatter.add.f32 [tilespmem:s18], [sflag:$0x3], $0x80, s31, s16, $0xb8;
	[tilespmem:$0x1E800] =	vst v63  }
0x2f: {  	_ =	swait.ge [sflag:s14], $0x4000  }
0x30: {  	[sflag:s14] =	ssyncset.done $0x0  }
0x31: {  	s25 =	simm.s32 $0x180;
	s24 =	simm.s32 $0x400;
	[sflag:s14] =	ssyncadd.s32 $0xFFFFC000  }
.LBB2_2:
0x32: {  	[tilespmem:s18], [sflag:$0x2] =	stream.indirect.gather [hbm4b:s4+s16], $0x80, s25, s16, $0xb8;
	[tilespmem:$0x1E800] =	vst v63  }
0x33: {  	s25 =	smov.u32 s24  }
0x34: {  	p0 =	sne.s32 s24, $0x4800;
	s24 =	sadd.s32 $0x400, s24;
	_ =	swait.ge [sflag:s19], $0x4000  }
0x35: {  	s25 =	sshra.s32 s25, $0x2;
	[sflag:s19] =	ssyncset.done $0x0  }
0x36: {  	s26 =	sadd.s32 $0x1400, s25;
	[sflag:s19] =	ssyncadd.s32 $0xFFFFC000  }
0x37: {  	[spmem:s2] =	stream.indirect.scatter.add.f32 [tilespmem:s17], [sflag:$0x3], $0x80, s26, s16, $0xb8;
	[tilespmem:$0x1E800] =	vst v63  }
0x38: {  	_ =	swait.ge [sflag:s14], $0x4000  }
0x39: {  	[sflag:s14] =	ssyncset.done $0x0  }
0x3a: {  	s26 =	sadd.s32 $0x100, s25;
	[sflag:s14] =	ssyncadd.s32 $0xFFFFC000  }
0x3b: {  	[tilespmem:s17], [sflag:$0x1] =	stream.indirect.gather [hbm4b:s4+s16], $0x80, s26, s16, $0xb8;
	[tilespmem:$0x1E800] =	vst v63  }
0x3c: {  	_ =	swait.ge [sflag:s20], $0x4000  }
0x3d: {  	[sflag:s20] =	ssyncset.done $0x0  }
.Ltmp0:
0x3e: {  	s26 =	sadd.s32 $0x1480, s25;
	[sflag:s20] =	ssyncadd.s32 $0xFFFFC000;
	(pc) =	sbr.rel @p0 .LBB2_2-.Ltmp0, $4  }
0x3f: {  	[spmem:s2] =	stream.indirect.scatter.add.f32 [tilespmem:s18], [sflag:$0x3], $0x80, s26, s16, $0xb8;
	[tilespmem:$0x1E800] =	vst v63  }
0x40: {  	_ =	swait.ge [sflag:s14], $0x4000  }
0x41: {  	[sflag:s14] =	ssyncset.done $0x0  }
0x42: {  	s25 =	sadd.s32 $0x180, s25;
	[sflag:s14] =	ssyncadd.s32 $0xFFFFC000  }
0x43: {  	[tilespmem:s18], [sflag:$0x2] =	stream.indirect.gather [hbm4b:s4+s16], $0x80, s25, s16, $0xb8;
	[tilespmem:$0x1E800] =	vst v63  }
0x44: {  	_ =	swait.ge [sflag:s19], $0x4000  }
0x45: {  	[sflag:s19] =	ssyncset.done $0x0  }
0x46: {  	[sflag:s19] =	ssyncadd.s32 $0xFFFFC000  }
0x47: {  	[spmem:s2] =	stream.indirect.scatter.add.f32 [tilespmem:s17], [sflag:$0x3], $0x80, s21, s16, $0xb8;
	[tilespmem:$0x1E800] =	vst v63  }
0x48: {  	_ =	swait.ge [sflag:s14], $0x4000  }
0x49: {  	[sflag:s14] =	ssyncset.done $0x0  }
0x4a: {  	[sflag:s14] =	ssyncadd.s32 $0xFFFFC000  }
0x4b: {  	_ =	swait.ge [sflag:s20], $0x4000  }
0x4c: {  	[sflag:s20] =	ssyncset.done $0x0  }
0x4d: {  	[sflag:s20] =	ssyncadd.s32 $0xFFFFC000  }
0x4e: {  	[spmem:s2] =	stream.indirect.scatter.add.f32 [tilespmem:s18], [sflag:$0x3], $0x80, s22, s16, $0xb8;
	[tilespmem:$0x1E800] =	vst v63  }
0x4f: {  	_ =	swait.ge [sflag:s14], $0x4000  }
0x50: {  	[sflag:s14] =	ssyncset.done $0x0  }
0x51: {  	s24 =	simm.s32 $0x0;
	[sflag:s14] =	ssyncadd.s32 $0xFFFFC000  }
0x52: {  	[tilespmem:s24], [sflag:$0x3] =	stream.linear.gather [hbm4b:s9+s24], $0x1400, $0x38;
	[tilespmem:$0x1E800] =	vst v63  }
0x53: {  	_ =	swait.ge [sflag:s14], $0x1400  }
0x54: {  	[sflag:s14] =	ssyncset.done $0x0  }
0x55: {  	[sflag:s14] =	ssyncadd.s32 $0xFFFFEC00  }
0x56: {  	[tilespmem:s15], [sflag:$0x3] =	stream.linear.gather [hbm4b:s10+s24], $0x1400, $0x38;
	[tilespmem:$0x1E800] =	vst v63  }
0x57: {  	_ =	swait.ge [sflag:s14], $0x1400  }
0x58: {  	[sflag:s14] =	ssyncset.done $0x0  }
0x59: {  	[sflag:s14] =	ssyncadd.s32 $0xFFFFEC00  }
0x5a: {  	[tilespmem:s17], [sflag:$0x1] =	stream.indirect.gather [hbm4b:s4+s16], $0x80, s24, s16, $0xb8;
	[tilespmem:$0x1E800] =	vst v63  }
0x5b: {  	_ = 	snop  }
0x5c: {  	[tilespmem:s18], [sflag:$0x2] =	stream.indirect.gather [hbm4b:s4+s16], $0x80, s16, s16, $0xb8;
	[tilespmem:$0x1E800] =	vst v63  }
0x5d: {  	_ =	swait.ge [sflag:s19], $0x4000  }
0x5e: {  	[sflag:s19] =	ssyncset.done $0x0  }
0x5f: {  	s29 =	simm.s32 $0x1400;
	[sflag:s19] =	ssyncadd.s32 $0xFFFFC000  }
0x60: {  	[spmem:s2] =	stream.indirect.scatter.add.f32 [tilespmem:s17], [sflag:$0x3], $0x80, s29, s16, $0xb8;
	[tilespmem:$0x1E800] =	vst v63  }
0x61: {  	_ =	swait.ge [sflag:s14], $0x4000  }
0x62: {  	[sflag:s14] =	ssyncset.done $0x0  }
0x63: {  	s30 =	simm.s32 $0x100;
	[sflag:s14] =	ssyncadd.s32 $0xFFFFC000  }
0x64: {  	[tilespmem:s17], [sflag:$0x1] =	stream.indirect.gather [hbm4b:s4+s16], $0x80, s30, s16, $0xb8;
	[tilespmem:$0x1E800] =	vst v63  }
0x65: {  	_ =	swait.ge [sflag:s20], $0x4000  }
0x66: {  	[sflag:s20] =	ssyncset.done $0x0  }
0x67: {  	s31 =	simm.s32 $0x1480;
	[sflag:s20] =	ssyncadd.s32 $0xFFFFC000  }
0x68: {  	[spmem:s2] =	stream.indirect.scatter.add.f32 [tilespmem:s18], [sflag:$0x3], $0x80, s31, s16, $0xb8;
	[tilespmem:$0x1E800] =	vst v63  }
0x69: {  	_ =	swait.ge [sflag:s14], $0x4000  }
0x6a: {  	[sflag:s14] =	ssyncset.done $0x0  }
0x6b: {  	s25 =	simm.s32 $0x180;
	s24 =	simm.s32 $0x400;
	[sflag:s14] =	ssyncadd.s32 $0xFFFFC000  }
.LBB2_4:
0x6c: {  	[tilespmem:s18], [sflag:$0x2] =	stream.indirect.gather [hbm4b:s4+s16], $0x80, s25, s16, $0xb8;
	[tilespmem:$0x1E800] =	vst v63  }
0x6d: {  	s25 =	smov.u32 s24  }
0x6e: {  	p0 =	sne.s32 s24, $0x4800;
	s24 =	sadd.s32 $0x400, s24;
	_ =	swait.ge [sflag:s19], $0x4000  }
0x6f: {  	s25 =	sshra.s32 s25, $0x2;
	[sflag:s19] =	ssyncset.done $0x0  }
0x70: {  	s26 =	sadd.s32 $0x1400, s25;
	[sflag:s19] =	ssyncadd.s32 $0xFFFFC000  }
0x71: {  	[spmem:s2] =	stream.indirect.scatter.add.f32 [tilespmem:s17], [sflag:$0x3], $0x80, s26, s16, $0xb8;
	[tilespmem:$0x1E800] =	vst v63  }
0x72: {  	_ =	swait.ge [sflag:s14], $0x4000  }
0x73: {  	[sflag:s14] =	ssyncset.done $0x0  }
0x74: {  	s26 =	sadd.s32 $0x100, s25;
	[sflag:s14] =	ssyncadd.s32 $0xFFFFC000  }
0x75: {  	[tilespmem:s17], [sflag:$0x1] =	stream.indirect.gather [hbm4b:s4+s16], $0x80, s26, s16, $0xb8;
	[tilespmem:$0x1E800] =	vst v63  }
0x76: {  	_ =	swait.ge [sflag:s20], $0x4000  }
0x77: {  	[sflag:s20] =	ssyncset.done $0x0  }
.Ltmp1:
0x78: {  	s26 =	sadd.s32 $0x1480, s25;
	[sflag:s20] =	ssyncadd.s32 $0xFFFFC000;
	(pc) =	sbr.rel @p0 .LBB2_4-.Ltmp1, $4  }
0x79: {  	[spmem:s2] =	stream.indirect.scatter.add.f32 [tilespmem:s18], [sflag:$0x3], $0x80, s26, s16, $0xb8;
	[tilespmem:$0x1E800] =	vst v63  }
0x7a: {  	_ =	swait.ge [sflag:s14], $0x4000  }
0x7b: {  	[sflag:s14] =	ssyncset.done $0x0  }
0x7c: {  	s25 =	sadd.s32 $0x180, s25;
	[sflag:s14] =	ssyncadd.s32 $0xFFFFC000  }
0x7d: {  	[tilespmem:s18], [sflag:$0x2] =	stream.indirect.gather [hbm4b:s4+s16], $0x80, s25, s16, $0xb8;
	[tilespmem:$0x1E800] =	vst v63  }
0x7e: {  	_ =	swait.ge [sflag:s19], $0x4000  }
0x7f: {  	[sflag:s19] =	ssyncset.done $0x0  }
0x80: {  	[sflag:s19] =	ssyncadd.s32 $0xFFFFC000  }
0x81: {  	[spmem:s2] =	stream.indirect.scatter.add.f32 [tilespmem:s17], [sflag:$0x3], $0x80, s21, s16, $0xb8;
	[tilespmem:$0x1E800] =	vst v63  }
0x82: {  	_ =	swait.ge [sflag:s14], $0x4000  }
0x83: {  	[sflag:s14] =	ssyncset.done $0x0  }
0x84: {  	[sflag:s14] =	ssyncadd.s32 $0xFFFFC000  }
0x85: {  	_ =	swait.ge [sflag:s20], $0x4000  }
0x86: {  	[sflag:s20] =	ssyncset.done $0x0  }
0x87: {  	[sflag:s20] =	ssyncadd.s32 $0xFFFFC000  }
0x88: {  	[spmem:s2] =	stream.indirect.scatter.add.f32 [tilespmem:s18], [sflag:$0x3], $0x80, s22, s16, $0xb8;
	[tilespmem:$0x1E800] =	vst v63  }
0x89: {  	_ =	swait.ge [sflag:s14], $0x4000  }
0x8a: {  	s23 =	sadd.s32 $0x1, s23;
	[sflag:s14] =	ssyncset.done $0x0  }
0x8b: {  	p0 =	sne.s32 s23, s12;
	[sflag:s14] =	ssyncadd.s32 $0xFFFFC000  }
.Ltmp2:
0x8c: {  	[bflag:$0x0] =	sbarrier.arrive $0xFFFF;
	(pc) =	sbr.rel @p0 .LBB2_1-.Ltmp2, $4  }
0x8d: {  	[hbm:s11], [sflag:s6] =	dma.local [spmem:s13], $0x2800  }
0x8e: {  	_ =	swait.ge [sflag:s14], $0x2800  }
0x8f: {  	[sflag:s14] =	ssyncset.done $0x0  }
0x90: {  	[sflag:s14] =	ssyncadd.s32 $0xFFFFD800  }
0x91: {  	_ =	sfence.sel $0x180000  }
0x92: {  	[bflag:$0x0] =	sbarrier.arrive $0xFFFF  }
0x93: {  	p0 =	sne.s32 s0, $0x0;
	_ =	strace $0x9000004A  }
0x94: {  	s0 =	sadd.s32 @!p0 $0x100000, s1;
	[bflag:$0x2] =	sbarrier.arrive $0xFFFF  }
0x95: {  	[sflag:s0] =	ssyncadd.tile.s32 @!p0 $0x1;
	_ =	shalt  }
.Lfunc_end2:
_tile_overlayer_lowered:
.L_overlay_start_2:
0x96: {  	(tag) =	ssettag $0x2  }
0x97: {  	s0 =	rddreg [dreg:$0x0];
	s2 =	stileid.u32  }
0x98: {  	s1 =	rddreg [dreg:$0x1];
	p0 =	sne.s32 s2, $0x0  }
0x99: {  	s3 =	rddreg [dreg:$0x2];
	[bflag:$0x3] =	sbarrier.arrive $0xFFFF;
	s2 =	simm.s32 @!p0 $0x1C03  }
0x9a: {  	[timem:s3], [sflag:s2] =	dma.local @!p0 [hbm:s0], s1  }
0x9b: {  	s0 =	simm.s32 @!p0 $0x3  }
0x9c: {  	_ =	swait.ge @!p0 [sflag:s0], s1  }
0x9d: {  	s1 =	ssub.s32 @!p0 $0x0, s1;
	[sflag:s0] =	ssyncset.done @!p0 $0x0  }
0x9e: {  	[sflag:s0] =	ssyncadd.s32 @!p0 s1  }
0x9f: {  	[bflag:$0x3] =	sbarrier.arrive $0xFFFF  }
0xa0: {  	_ =	shalt  }

</sc_bundles>
